<compile_context>
chip_gen: v7x
topology: tpu7x:2x2x1
jax: 0.10.2.dev20260603
libtpu: 0.0.44.dev20260713+nightly
codegen_flags: <defaults>
</compile_context>

<pallas_src>
import jax
import jax.numpy as jnp
from jax import lax
from jax.experimental import pallas as pl
from jax.experimental.pallas import tpu as pltpu
from jax.experimental.pallas import tpu_sc as plsc

WORD_DIM = 64
SMALL_DIM = 16
FILL_DIM = 3 * SMALL_DIM
OUT_DIM = WORD_DIM + FILL_DIM

NUM_WORKERS = 32
GRP = 128
LANES = 16


def _sc_body(word_idx, bio_idx, f0_idx, f1_idx, w_word, wb_t, wf_t, out,
             idx_w, idx_b, idx_0, idx_1, wb_v, wf_v,
             wbuf_a, wbuf_b, fbuf_a, fbuf_b,
             sem_i, gsem_a, gsem_b, wsem_a, wsem_b):
    groups = word_idx.shape[0] // NUM_WORKERS
    pairs = groups // 2
    per_worker = groups * GRP

    wid = lax.axis_index("s") * 2 + lax.axis_index("c")
    worker_base = wid * per_worker
    wrows = pl.ds(pl.multiple_of(wid * groups, groups), groups)
    wflat = pl.ds(pl.multiple_of(wid * per_worker, per_worker), per_worker)

    loads = [
        pltpu.async_copy(word_idx.at[wrows, :], idx_w, sem_i),
        pltpu.async_copy(bio_idx.at[wflat], idx_b, sem_i),
        pltpu.async_copy(f0_idx.at[wflat], idx_0, sem_i),
        pltpu.async_copy(f1_idx.at[wflat], idx_1, sem_i),
        pltpu.async_copy(wb_t, wb_v, sem_i),
        pltpu.async_copy(wf_t, wf_v, sem_i),
    ]
    for cp in loads:
        cp.wait()

    def fire_gather(g, buf, sem):
        return pltpu.async_copy(w_word.at[idx_w.at[g]], buf, sem)

    def drain_gather(g, buf, sem):
        pltpu.make_async_copy(w_word.at[idx_w.at[g]], buf, sem).wait()

    def out_slices(g):
        rows = pl.ds(worker_base + g * GRP, GRP)
        return (out.at[rows, pl.ds(0, WORD_DIM)],
                out.at[rows, pl.ds(WORD_DIM, WORD_DIM)])

    def fire_write(g, wbuf, fbuf, sem):
        dst_w, dst_f = out_slices(g)
        return [pltpu.async_copy(wbuf, dst_w, sem),
                pltpu.async_copy(fbuf, dst_f, sem)]

    def drain_write(g, wbuf, fbuf, sem):
        dst_w, dst_f = out_slices(g)
        pltpu.make_async_copy(wbuf, dst_w, sem).wait()
        pltpu.make_async_copy(fbuf, dst_f, sem).wait()

    iota = lax.iota(jnp.int32, LANES)

    def fill(g, fbuf):
        def vgroup(v, carry):
            o = g * GRP + v * LANES
            rows = v * LANES + iota
            lanes_b = idx_b[pl.ds(o, LANES)]
            lanes_0 = idx_0[pl.ds(o, LANES)]
            lanes_1 = idx_1[pl.ds(o, LANES)]
            for c in range(SMALL_DIM):
                cvec = jnp.full((LANES,), c, jnp.int32)
                vb = plsc.load_gather(wb_v, [cvec, lanes_b])
                plsc.store_scatter(
                    fbuf, [rows, jnp.full((LANES,), c, jnp.int32)], vb)
                v0 = plsc.load_gather(wf_v, [cvec, lanes_0])
                plsc.store_scatter(
                    fbuf, [rows, jnp.full((LANES,), SMALL_DIM + c, jnp.int32)], v0)
                v1 = plsc.load_gather(wf_v, [cvec, lanes_1])
                plsc.store_scatter(
                    fbuf, [rows, jnp.full((LANES,), 2 * SMALL_DIM + c, jnp.int32)], v1)
            return carry

        lax.fori_loop(0, GRP // LANES, vgroup, 0)

    fire_gather(0, wbuf_a, gsem_a)

    def pair_body(p, carry):
        a = 2 * p
        b = a + 1
        fill(a, fbuf_a)

        @pl.when(p > 0)
        def _():
            drain_write(a - 1, wbuf_b, fbuf_b, wsem_b)

        fire_gather(b, wbuf_b, gsem_b)
        drain_gather(a, wbuf_a, gsem_a)
        fire_write(a, wbuf_a, fbuf_a, wsem_a)
        fill(b, fbuf_b)
        drain_write(a, wbuf_a, fbuf_a, wsem_a)
        fire_gather(jnp.minimum(b + 1, groups - 1), wbuf_a, gsem_a)
        drain_gather(b, wbuf_b, gsem_b)
        fire_write(b, wbuf_b, fbuf_b, wsem_b)
        return carry

    lax.fori_loop(0, pairs, pair_body, 0)
    drain_gather(groups - 1, wbuf_a, gsem_a)
    drain_write(groups - 1, wbuf_b, fbuf_b, wsem_b)


def kernel(word_index, bio_index, feat_index_0, feat_index_1, W_word, W_bio, W_feat):
    B, S = word_index.shape
    n = B * S
    groups_total = n // GRP
    wf = word_index.reshape(groups_total, GRP).astype(jnp.int32)
    bf = bio_index.reshape(n).astype(jnp.int32)
    f0 = feat_index_0.reshape(n).astype(jnp.int32)
    f1 = feat_index_1.reshape(n).astype(jnp.int32)
    wb_t = W_bio.T
    wf_t = W_feat.T
    groups = groups_total // NUM_WORKERS
    per_worker = groups * GRP

    mesh = plsc.VectorSubcoreMesh(
        core_axis_name="c", subcore_axis_name="s", num_cores=2, num_subcores=16)

    run = pl.kernel(
        _sc_body,
        out_type=jax.ShapeDtypeStruct((n, 128), jnp.float32),
        mesh=mesh,
        scratch_types=[
            pltpu.VMEM((groups, GRP), jnp.int32),
            pltpu.VMEM((per_worker,), jnp.int32),
            pltpu.VMEM((per_worker,), jnp.int32),
            pltpu.VMEM((per_worker,), jnp.int32),
            pltpu.VMEM((LANES, 8), jnp.float32),
            pltpu.VMEM((LANES, 1000), jnp.float32),
            pltpu.VMEM((GRP, WORD_DIM), jnp.float32),
            pltpu.VMEM((GRP, WORD_DIM), jnp.float32),
            pltpu.VMEM((GRP, WORD_DIM), jnp.float32),
            pltpu.VMEM((GRP, WORD_DIM), jnp.float32),
            pltpu.SemaphoreType.DMA,
            pltpu.SemaphoreType.DMA,
            pltpu.SemaphoreType.DMA,
            pltpu.SemaphoreType.DMA,
            pltpu.SemaphoreType.DMA,
        ],
        compiler_params=pltpu.CompilerParams(
            use_tc_tiling_on_sc=False, needs_layout_passes=False),
    )
    out = run(wf, bf, f0, f1, W_word, wb_t, wf_t)
    return out[:, :OUT_DIM].reshape(B, S, OUT_DIM)

# --- scband reference (transcript-rebuilt; emitter-appended) ---
"""Pipeline reference for scband-feature-rich-embedding-18897856102620 (READ-ONLY COPY).

The authoritative reference and input builder live on the scoring server;
editing this copy changes nothing except your own understanding.
"""

import jax, jax.numpy as jnp
import numpy as np

WORD_VOCAB = 1000000
WORD_DIM = 64
BIO_VOCAB = 8
BIO_DIM = 16
FEAT_VOCAB = 1000
FEAT_DIM = 16
B, S = 1024, 200


def setup_inputs(seed: int = 0) -> dict:
    key = jax.random.key(seed)
    k1, k2, k3, k4, k5, k6, k7 = jax.random.split(key, 7)
    word_index = jax.random.randint(k1, (B, S), 0, WORD_VOCAB, dtype=jnp.int64) if jax.config.jax_enable_x64 else jax.random.randint(k1, (B, S), 0, WORD_VOCAB, dtype=jnp.int32)
    bio_index = jax.random.randint(k2, (B, S), 0, BIO_VOCAB, dtype=jnp.int32)
    feat_index_0 = jax.random.randint(k3, (B, S), 0, FEAT_VOCAB, dtype=jnp.int32)
    feat_index_1 = jax.random.randint(k4, (B, S), 0, FEAT_VOCAB, dtype=jnp.int32)
    W_word = jax.random.normal(k5, (WORD_VOCAB, WORD_DIM), dtype=jnp.float32)
    W_bio = jax.random.normal(k6, (BIO_VOCAB, BIO_DIM), dtype=jnp.float32)
    W_feat = jax.random.normal(k7, (FEAT_VOCAB, FEAT_DIM), dtype=jnp.float32)
    return {
        "word_index": word_index,
        "bio_index": bio_index,
        "feat_index_0": feat_index_0,
        "feat_index_1": feat_index_1,
        "W_word": W_word,
        "W_bio": W_bio,
        "W_feat": W_feat,
    }


def reference(word_index, bio_index, feat_index_0, feat_index_1, W_word, W_bio, W_feat):
    word = jnp.take(W_word, word_index, axis=0)
    bio = jnp.take(W_bio, bio_index, axis=0)
    feat = jnp.concatenate(
        [jnp.take(W_feat, feat_index_0, axis=0), jnp.take(W_feat, feat_index_1, axis=0)],
        axis=-1,
    )
    return jnp.concatenate([word, bio, feat], axis=-1)

if __name__ == "__main__":
    import jax
    _d = setup_inputs()
    print(jax.jit(kernel)(*tuple(_d.values())))

</pallas_src>

<mosaic_0001>
#map = affine_map<(d0, d1) -> (0, 0)>
#map1 = affine_map<(d0, d1) -> (0)>
module attributes {stable_mosaic.version = 14 : i64} {
  func.func @_sc_body(%arg0: i32, %arg1: i32, %arg2: memref<1600x128xi32, #tpu.memory_space<hbm>>, %arg3: memref<204800xi32, #tpu.memory_space<hbm>>, %arg4: memref<204800xi32, #tpu.memory_space<hbm>>, %arg5: memref<204800xi32, #tpu.memory_space<hbm>>, %arg6: memref<1000000x64xf32, #tpu.memory_space<hbm>>, %arg7: memref<16x8xf32, #tpu.memory_space<hbm>>, %arg8: memref<16x1000xf32, #tpu.memory_space<hbm>>, %arg9: memref<204800x128xf32, #tpu.memory_space<hbm>>, %arg10: memref<50x128xi32, #tpu.memory_space<vmem>>, %arg11: memref<6400xi32, #tpu.memory_space<vmem>>, %arg12: memref<6400xi32, #tpu.memory_space<vmem>>, %arg13: memref<6400xi32, #tpu.memory_space<vmem>>, %arg14: memref<16x8xf32, #tpu.memory_space<vmem>>, %arg15: memref<16x1000xf32, #tpu.memory_space<vmem>>, %arg16: memref<128x64xf32, #tpu.memory_space<vmem>>, %arg17: memref<128x64xf32, #tpu.memory_space<vmem>>, %arg18: memref<128x64xf32, #tpu.memory_space<vmem>>, %arg19: memref<128x64xf32, #tpu.memory_space<vmem>>, %arg20: memref<!tpu.dma_semaphore, #tpu.memory_space<semaphore_mem>>, %arg21: memref<!tpu.dma_semaphore, #tpu.memory_space<semaphore_mem>>, %arg22: memref<!tpu.dma_semaphore, #tpu.memory_space<semaphore_mem>>, %arg23: memref<!tpu.dma_semaphore, #tpu.memory_space<semaphore_mem>>, %arg24: memref<!tpu.dma_semaphore, #tpu.memory_space<semaphore_mem>>) attributes {dimension_semantics = [#tpu.dimension_semantics<core_parallel>, #tpu.dimension_semantics<subcore_parallel>], iteration_bounds = array<i64: 2, 16>, scalar_prefetch = 0 : i64, scratch_operands = 15 : i64, tpu.core_type = #tpu.core_type<sc_vector_subcore>, window_params = [{transform_indices = #map}, {transform_indices = #map1}, {transform_indices = #map1}, {transform_indices = #map1}, {transform_indices = #map}, {transform_indices = #map}, {transform_indices = #map}, {transform_indices = #map}]} {
    %mul3A = arith.constant 2 : i32
    %mul3A_0 = arith.muli %arg1, %mul3A : i32
    %add3A = arith.addi %mul3A_0, %arg0 : i32
    %mul3A_1 = arith.constant 6400 : i32
    %mul3A_2 = arith.muli %add3A, %mul3A_1 : i32
    %mul3A_3 = arith.constant 50 : i32
    %mul3A_4 = arith.muli %add3A, %mul3A_3 : i32
    %multiple_of3A = tpu.assume_multiple %mul3A_4, 50 : i32
    %mul3A_5 = arith.constant 6400 : i32
    %mul3A_6 = arith.muli %add3A, %mul3A_5 : i32
    %multiple_of3A_7 = tpu.assume_multiple %mul3A_6, 6400 : i32
    %dma_start3A = arith.constant 0 : i32
    %dma_start3A_8 = tpu.memref_slice %arg2[%multiple_of3A, %dma_start3A] : memref<1600x128xi32, #tpu.memory_space<hbm>> -> memref<50x128xi32, #tpu.memory_space<hbm>>
    %dma_start3A_9 = arith.constant 0 : i32
    %dma_start3A_10 = tpu.memref_slice %arg2[%multiple_of3A, %dma_start3A_9] : memref<1600x128xi32, #tpu.memory_space<hbm>> -> memref<50x128xi32, #tpu.memory_space<hbm>>
    tpu.enqueue_dma source(%dma_start3A_10 : memref<50x128xi32, #tpu.memory_space<hbm>>) target(%arg10 : memref<50x128xi32, #tpu.memory_space<vmem>>) target_semaphore(%arg20 : memref<!tpu.dma_semaphore, #tpu.memory_space<semaphore_mem>>)
    %dma_start3A_11 = tpu.memref_slice %arg3[%multiple_of3A_7] : memref<204800xi32, #tpu.memory_space<hbm>> -> memref<6400xi32, #tpu.memory_space<hbm>>
    %dma_start3A_12 = tpu.memref_slice %arg3[%multiple_of3A_7] : memref<204800xi32, #tpu.memory_space<hbm>> -> memref<6400xi32, #tpu.memory_space<hbm>>
    tpu.enqueue_dma source(%dma_start3A_12 : memref<6400xi32, #tpu.memory_space<hbm>>) target(%arg11 : memref<6400xi32, #tpu.memory_space<vmem>>) target_semaphore(%arg20 : memref<!tpu.dma_semaphore, #tpu.memory_space<semaphore_mem>>)
    %dma_start3A_13 = tpu.memref_slice %arg4[%multiple_of3A_7] : memref<204800xi32, #tpu.memory_space<hbm>> -> memref<6400xi32, #tpu.memory_space<hbm>>
    %dma_start3A_14 = tpu.memref_slice %arg4[%multiple_of3A_7] : memref<204800xi32, #tpu.memory_space<hbm>> -> memref<6400xi32, #tpu.memory_space<hbm>>
    tpu.enqueue_dma source(%dma_start3A_14 : memref<6400xi32, #tpu.memory_space<hbm>>) target(%arg12 : memref<6400xi32, #tpu.memory_space<vmem>>) target_semaphore(%arg20 : memref<!tpu.dma_semaphore, #tpu.memory_space<semaphore_mem>>)
    %dma_start3A_15 = tpu.memref_slice %arg5[%multiple_of3A_7] : memref<204800xi32, #tpu.memory_space<hbm>> -> memref<6400xi32, #tpu.memory_space<hbm>>
    %dma_start3A_16 = tpu.memref_slice %arg5[%multiple_of3A_7] : memref<204800xi32, #tpu.memory_space<hbm>> -> memref<6400xi32, #tpu.memory_space<hbm>>
    tpu.enqueue_dma source(%dma_start3A_16 : memref<6400xi32, #tpu.memory_space<hbm>>) target(%arg13 : memref<6400xi32, #tpu.memory_space<vmem>>) target_semaphore(%arg20 : memref<!tpu.dma_semaphore, #tpu.memory_space<semaphore_mem>>)
    tpu.enqueue_dma source(%arg7 : memref<16x8xf32, #tpu.memory_space<hbm>>) target(%arg14 : memref<16x8xf32, #tpu.memory_space<vmem>>) target_semaphore(%arg20 : memref<!tpu.dma_semaphore, #tpu.memory_space<semaphore_mem>>)
    tpu.enqueue_dma source(%arg8 : memref<16x1000xf32, #tpu.memory_space<hbm>>) target(%arg15 : memref<16x1000xf32, #tpu.memory_space<vmem>>) target_semaphore(%arg20 : memref<!tpu.dma_semaphore, #tpu.memory_space<semaphore_mem>>)
    %dma_wait3A = arith.constant 0 : i32
    %dma_wait3A_17 = tpu.memref_slice %arg2[%multiple_of3A, %dma_wait3A] : memref<1600x128xi32, #tpu.memory_space<hbm>> -> memref<50x128xi32, #tpu.memory_space<hbm>>
    %dma_wait3A_18 = arith.constant 0 : i32
    %dma_wait3A_19 = tpu.memref_slice %arg2[%multiple_of3A, %dma_wait3A_18] : memref<1600x128xi32, #tpu.memory_space<hbm>> -> memref<50x128xi32, #tpu.memory_space<hbm>>
    tpu.wait_dma2 semaphore(%arg20 : memref<!tpu.dma_semaphore, #tpu.memory_space<semaphore_mem>>) src(%dma_wait3A_19 : memref<50x128xi32, #tpu.memory_space<hbm>>) dst(%arg10 : memref<50x128xi32, #tpu.memory_space<vmem>>)
    %dma_wait3A_20 = tpu.memref_slice %arg3[%multiple_of3A_7] : memref<204800xi32, #tpu.memory_space<hbm>> -> memref<6400xi32, #tpu.memory_space<hbm>>
    %dma_wait3A_21 = tpu.memref_slice %arg3[%multiple_of3A_7] : memref<204800xi32, #tpu.memory_space<hbm>> -> memref<6400xi32, #tpu.memory_space<hbm>>
    tpu.wait_dma2 semaphore(%arg20 : memref<!tpu.dma_semaphore, #tpu.memory_space<semaphore_mem>>) src(%dma_wait3A_21 : memref<6400xi32, #tpu.memory_space<hbm>>) dst(%arg11 : memref<6400xi32, #tpu.memory_space<vmem>>)
    %dma_wait3A_22 = tpu.memref_slice %arg4[%multiple_of3A_7] : memref<204800xi32, #tpu.memory_space<hbm>> -> memref<6400xi32, #tpu.memory_space<hbm>>
    %dma_wait3A_23 = tpu.memref_slice %arg4[%multiple_of3A_7] : memref<204800xi32, #tpu.memory_space<hbm>> -> memref<6400xi32, #tpu.memory_space<hbm>>
    tpu.wait_dma2 semaphore(%arg20 : memref<!tpu.dma_semaphore, #tpu.memory_space<semaphore_mem>>) src(%dma_wait3A_23 : memref<6400xi32, #tpu.memory_space<hbm>>) dst(%arg12 : memref<6400xi32, #tpu.memory_space<vmem>>)
    %dma_wait3A_24 = tpu.memref_slice %arg5[%multiple_of3A_7] : memref<204800xi32, #tpu.memory_space<hbm>> -> memref<6400xi32, #tpu.memory_space<hbm>>
    %dma_wait3A_25 = tpu.memref_slice %arg5[%multiple_of3A_7] : memref<204800xi32, #tpu.memory_space<hbm>> -> memref<6400xi32, #tpu.memory_space<hbm>>
    tpu.wait_dma2 semaphore(%arg20 : memref<!tpu.dma_semaphore, #tpu.memory_space<semaphore_mem>>) src(%dma_wait3A_25 : memref<6400xi32, #tpu.memory_space<hbm>>) dst(%arg13 : memref<6400xi32, #tpu.memory_space<vmem>>)
    tpu.wait_dma2 semaphore(%arg20 : memref<!tpu.dma_semaphore, #tpu.memory_space<semaphore_mem>>) src(%arg7 : memref<16x8xf32, #tpu.memory_space<hbm>>) dst(%arg14 : memref<16x8xf32, #tpu.memory_space<vmem>>)
    tpu.wait_dma2 semaphore(%arg20 : memref<!tpu.dma_semaphore, #tpu.memory_space<semaphore_mem>>) src(%arg8 : memref<16x1000xf32, #tpu.memory_space<hbm>>) dst(%arg15 : memref<16x1000xf32, #tpu.memory_space<vmem>>)
    %iota3A = tpu.iota {dimensions = array<i32: 0>} : vector<16xi32>
    %dma_start3A_26 = arith.constant 0 : i32
    %dma_start3A_27 = arith.constant 0 : i32
    %dma_start3A_28 = tpu.memref_slice %arg10[%dma_start3A_26, %dma_start3A_27] : memref<50x128xi32, #tpu.memory_space<vmem>> -> memref<1x128xi32, #tpu.memory_space<vmem>>
    %dma_start3A_29 = tpu.memref_squeeze %dma_start3A_28 : memref<1x128xi32, #tpu.memory_space<vmem>> -> memref<128xi32, #tpu.memory_space<vmem>>
    %dma_start3A_30 = arith.constant 0 : i32
    %dma_start3A_31 = arith.constant 0 : i32
    %dma_start3A_32 = tpu.memref_slice %arg6[%dma_start3A_30, %dma_start3A_31] : memref<1000000x64xf32, #tpu.memory_space<hbm>> -> memref<1000000x64xf32, #tpu.memory_space<hbm>>
    tpu.enqueue_indirect_dma source(%dma_start3A_32 : memref<1000000x64xf32, #tpu.memory_space<hbm>>) target(%arg16 : memref<128x64xf32, #tpu.memory_space<vmem>>) offsets(%dma_start3A_29 : memref<128xi32, #tpu.memory_space<vmem>>) semaphore(%arg21 : memref<!tpu.dma_semaphore, #tpu.memory_space<semaphore_mem>>)
    %scan3A = arith.constant 0 : i32
    %scan3A_33 = arith.constant 0 : i32
    %scan3A_34 = arith.constant 25 : i32
    %scan3A_35 = arith.addi %scan3A_33, %scan3A_34 : i32
    %scan3A_36 = arith.constant 1 : i32
    scf.for %scan3A_55 = %scan3A_33 to %scan3A_35 step %scan3A_36  : i32 {
      %mul3A_56 = arith.constant 2 : i32
      %mul3A_57 = arith.muli %mul3A_56, %scan3A_55 : i32
      %add3A_58 = arith.constant 1 : i32
      %add3A_59 = arith.addi %mul3A_57, %add3A_58 : i32
      %scan3A_60 = arith.constant 0 : i32
      %scan3A_61 = arith.constant 0 : i32
      %scan3A_62 = arith.constant 8 : i32
      %scan3A_63 = arith.addi %scan3A_61, %scan3A_62 : i32
      %scan3A_64 = arith.constant 1 : i32
      scf.for %scan3A_134 = %scan3A_61 to %scan3A_63 step %scan3A_64  : i32 {
        %mul3A_135 = arith.constant 128 : i32
        %mul3A_136 = arith.muli %mul3A_57, %mul3A_135 : i32
        %mul3A_137 = arith.constant 16 : i32
        %mul3A_138 = arith.muli %scan3A_134, %mul3A_137 : i32
        %add3A_139 = arith.addi %mul3A_136, %mul3A_138 : i32
        %mul3A_140 = arith.constant 16 : i32
        %mul3A_141 = arith.muli %scan3A_134, %mul3A_140 : i32
        %add3A_142 = vector.broadcast %mul3A_141 : i32 to vector<16xi32>
        %add3A_143 = arith.addi %add3A_142, %iota3A : vector<16xi32>
        %get3A = arith.index_cast %add3A_139 : i32 to index
        %get3A_144 = tpu.vector_load %arg11[%get3A] {strides = array<i32>} : memref<6400xi32, #tpu.memory_space<vmem>>, vector<16xi32>,
        %get3A_145 = arith.index_cast %add3A_139 : i32 to index
        %get3A_146 = tpu.vector_load %arg12[%get3A_145] {strides = array<i32>} : memref<6400xi32, #tpu.memory_space<vmem>>, vector<16xi32>,
        %get3A_147 = arith.index_cast %add3A_139 : i32 to index
        %get3A_148 = tpu.vector_load %arg13[%get3A_147] {strides = array<i32>} : memref<6400xi32, #tpu.memory_space<vmem>>, vector<16xi32>,
        %broadcast_in_dim3A = arith.constant 0 : i32
        %broadcast_in_dim3A_149 = vector.broadcast %broadcast_in_dim3A : i32 to vector<16xi32>
        %gather3A = tpu.vector_load_idx %arg14[%broadcast_in_dim3A_149, %get3A_144] : memref<16x8xf32, #tpu.memory_space<vmem>>[vector<16xi32>, vector<16xi32>], vector<16xf32>,
        %broadcast_in_dim3A_150 = arith.constant 0 : i32
        %broadcast_in_dim3A_151 = vector.broadcast %broadcast_in_dim3A_150 : i32 to vector<16xi32>
        tpu.vector_store_idx %arg18[%add3A_143, %broadcast_in_dim3A_151], %gather3A : memref<128x64xf32, #tpu.memory_space<vmem>>[vector<16xi32>, vector<16xi32>], vector<16xf32>,
        %gather3A_152 = tpu.vector_load_idx %arg15[%broadcast_in_dim3A_149, %get3A_146] : memref<16x1000xf32, #tpu.memory_space<vmem>>[vector<16xi32>, vector<16xi32>], vector<16xf32>,
        %broadcast_in_dim3A_153 = arith.constant 16 : i32
        %broadcast_in_dim3A_154 = vector.broadcast %broadcast_in_dim3A_153 : i32 to vector<16xi32>
        tpu.vector_store_idx %arg18[%add3A_143, %broadcast_in_dim3A_154], %gather3A_152 : memref<128x64xf32, #tpu.memory_space<vmem>>[vector<16xi32>, vector<16xi32>], vector<16xf32>,
        %gather3A_155 = tpu.vector_load_idx %arg15[%broadcast_in_dim3A_149, %get3A_148] : memref<16x1000xf32, #tpu.memory_space<vmem>>[vector<16xi32>, vector<16xi32>], vector<16xf32>,
        %broadcast_in_dim3A_156 = arith.constant 32 : i32
        %broadcast_in_dim3A_157 = vector.broadcast %broadcast_in_dim3A_156 : i32 to vector<16xi32>
        tpu.vector_store_idx %arg18[%add3A_143, %broadcast_in_dim3A_157], %gather3A_155 : memref<128x64xf32, #tpu.memory_space<vmem>>[vector<16xi32>, vector<16xi32>], vector<16xf32>,
        %broadcast_in_dim3A_158 = arith.constant 1 : i32
        %broadcast_in_dim3A_159 = vector.broadcast %broadcast_in_dim3A_158 : i32 to vector<16xi32>
        %gather3A_160 = tpu.vector_load_idx %arg14[%broadcast_in_dim3A_159, %get3A_144] : memref<16x8xf32, #tpu.memory_space<vmem>>[vector<16xi32>, vector<16xi32>], vector<16xf32>,
        %broadcast_in_dim3A_161 = arith.constant 1 : i32
        %broadcast_in_dim3A_162 = vector.broadcast %broadcast_in_dim3A_161 : i32 to vector<16xi32>
        tpu.vector_store_idx %arg18[%add3A_143, %broadcast_in_dim3A_162], %gather3A_160 : memref<128x64xf32, #tpu.memory_space<vmem>>[vector<16xi32>, vector<16xi32>], vector<16xf32>,
        %gather3A_163 = tpu.vector_load_idx %arg15[%broadcast_in_dim3A_159, %get3A_146] : memref<16x1000xf32, #tpu.memory_space<vmem>>[vector<16xi32>, vector<16xi32>], vector<16xf32>,
        %broadcast_in_dim3A_164 = arith.constant 17 : i32
        %broadcast_in_dim3A_165 = vector.broadcast %broadcast_in_dim3A_164 : i32 to vector<16xi32>
        tpu.vector_store_idx %arg18[%add3A_143, %broadcast_in_dim3A_165], %gather3A_163 : memref<128x64xf32, #tpu.memory_space<vmem>>[vector<16xi32>, vector<16xi32>], vector<16xf32>,
        %gather3A_166 = tpu.vector_load_idx %arg15[%broadcast_in_dim3A_159, %get3A_148] : memref<16x1000xf32, #tpu.memory_space<vmem>>[vector<16xi32>, vector<16xi32>], vector<16xf32>,
        %broadcast_in_dim3A_167 = arith.constant 33 : i32
        %broadcast_in_dim3A_168 = vector.broadcast %broadcast_in_dim3A_167 : i32 to vector<16xi32>
        tpu.vector_store_idx %arg18[%add3A_143, %broadcast_in_dim3A_168], %gather3A_166 : memref<128x64xf32, #tpu.memory_space<vmem>>[vector<16xi32>, vector<16xi32>], vector<16xf32>,
        %broadcast_in_dim3A_169 = arith.constant 2 : i32
        %broadcast_in_dim3A_170 = vector.broadcast %broadcast_in_dim3A_169 : i32 to vector<16xi32>
        %gather3A_171 = tpu.vector_load_idx %arg14[%broadcast_in_dim3A_170, %get3A_144] : memref<16x8xf32, #tpu.memory_space<vmem>>[vector<16xi32>, vector<16xi32>], vector<16xf32>,
        %broadcast_in_dim3A_172 = arith.constant 2 : i32
        %broadcast_in_dim3A_173 = vector.broadcast %broadcast_in_dim3A_172 : i32 to vector<16xi32>
        tpu.vector_store_idx %arg18[%add3A_143, %broadcast_in_dim3A_173], %gather3A_171 : memref<128x64xf32, #tpu.memory_space<vmem>>[vector<16xi32>, vector<16xi32>], vector<16xf32>,
        %gather3A_174 = tpu.vector_load_idx %arg15[%broadcast_in_dim3A_170, %get3A_146] : memref<16x1000xf32, #tpu.memory_space<vmem>>[vector<16xi32>, vector<16xi32>], vector<16xf32>,
        %broadcast_in_dim3A_175 = arith.constant 18 : i32
        %broadcast_in_dim3A_176 = vector.broadcast %broadcast_in_dim3A_175 : i32 to vector<16xi32>
        tpu.vector_store_idx %arg18[%add3A_143, %broadcast_in_dim3A_176], %gather3A_174 : memref<128x64xf32, #tpu.memory_space<vmem>>[vector<16xi32>, vector<16xi32>], vector<16xf32>,
        %gather3A_177 = tpu.vector_load_idx %arg15[%broadcast_in_dim3A_170, %get3A_148] : memref<16x1000xf32, #tpu.memory_space<vmem>>[vector<16xi32>, vector<16xi32>], vector<16xf32>,
        %broadcast_in_dim3A_178 = arith.constant 34 : i32
        %broadcast_in_dim3A_179 = vector.broadcast %broadcast_in_dim3A_178 : i32 to vector<16xi32>
        tpu.vector_store_idx %arg18[%add3A_143, %broadcast_in_dim3A_179], %gather3A_177 : memref<128x64xf32, #tpu.memory_space<vmem>>[vector<16xi32>, vector<16xi32>], vector<16xf32>,
        %broadcast_in_dim3A_180 = arith.constant 3 : i32
        %broadcast_in_dim3A_181 = vector.broadcast %broadcast_in_dim3A_180 : i32 to vector<16xi32>
        %gather3A_182 = tpu.vector_load_idx %arg14[%broadcast_in_dim3A_181, %get3A_144] : memref<16x8xf32, #tpu.memory_space<vmem>>[vector<16xi32>, vector<16xi32>], vector<16xf32>,
        %broadcast_in_dim3A_183 = arith.constant 3 : i32
        %broadcast_in_dim3A_184 = vector.broadcast %broadcast_in_dim3A_183 : i32 to vector<16xi32>
        tpu.vector_store_idx %arg18[%add3A_143, %broadcast_in_dim3A_184], %gather3A_182 : memref<128x64xf32, #tpu.memory_space<vmem>>[vector<16xi32>, vector<16xi32>], vector<16xf32>,
        %gather3A_185 = tpu.vector_load_idx %arg15[%broadcast_in_dim3A_181, %get3A_146] : memref<16x1000xf32, #tpu.memory_space<vmem>>[vector<16xi32>, vector<16xi32>], vector<16xf32>,
        %broadcast_in_dim3A_186 = arith.constant 19 : i32
        %broadcast_in_dim3A_187 = vector.broadcast %broadcast_in_dim3A_186 : i32 to vector<16xi32>
        tpu.vector_store_idx %arg18[%add3A_143, %broadcast_in_dim3A_187], %gather3A_185 : memref<128x64xf32, #tpu.memory_space<vmem>>[vector<16xi32>, vector<16xi32>], vector<16xf32>,
        %gather3A_188 = tpu.vector_load_idx %arg15[%broadcast_in_dim3A_181, %get3A_148] : memref<16x1000xf32, #tpu.memory_space<vmem>>[vector<16xi32>, vector<16xi32>], vector<16xf32>,
        %broadcast_in_dim3A_189 = arith.constant 35 : i32
        %broadcast_in_dim3A_190 = vector.broadcast %broadcast_in_dim3A_189 : i32 to vector<16xi32>
        tpu.vector_store_idx %arg18[%add3A_143, %broadcast_in_dim3A_190], %gather3A_188 : memref<128x64xf32, #tpu.memory_space<vmem>>[vector<16xi32>, vector<16xi32>], vector<16xf32>,
        %broadcast_in_dim3A_191 = arith.constant 4 : i32
        %broadcast_in_dim3A_192 = vector.broadcast %broadcast_in_dim3A_191 : i32 to vector<16xi32>
        %gather3A_193 = tpu.vector_load_idx %arg14[%broadcast_in_dim3A_192, %get3A_144] : memref<16x8xf32, #tpu.memory_space<vmem>>[vector<16xi32>, vector<16xi32>], vector<16xf32>,
        %broadcast_in_dim3A_194 = arith.constant 4 : i32
        %broadcast_in_dim3A_195 = vector.broadcast %broadcast_in_dim3A_194 : i32 to vector<16xi32>
        tpu.vector_store_idx %arg18[%add3A_143, %broadcast_in_dim3A_195], %gather3A_193 : memref<128x64xf32, #tpu.memory_space<vmem>>[vector<16xi32>, vector<16xi32>], vector<16xf32>,
        %gather3A_196 = tpu.vector_load_idx %arg15[%broadcast_in_dim3A_192, %get3A_146] : memref<16x1000xf32, #tpu.memory_space<vmem>>[vector<16xi32>, vector<16xi32>], vector<16xf32>,
        %broadcast_in_dim3A_197 = arith.constant 20 : i32
        %broadcast_in_dim3A_198 = vector.broadcast %broadcast_in_dim3A_197 : i32 to vector<16xi32>
        tpu.vector_store_idx %arg18[%add3A_143, %broadcast_in_dim3A_198], %gather3A_196 : memref<128x64xf32, #tpu.memory_space<vmem>>[vector<16xi32>, vector<16xi32>], vector<16xf32>,
        %gather3A_199 = tpu.vector_load_idx %arg15[%broadcast_in_dim3A_192, %get3A_148] : memref<16x1000xf32, #tpu.memory_space<vmem>>[vector<16xi32>, vector<16xi32>], vector<16xf32>,
        %broadcast_in_dim3A_200 = arith.constant 36 : i32
        %broadcast_in_dim3A_201 = vector.broadcast %broadcast_in_dim3A_200 : i32 to vector<16xi32>
        tpu.vector_store_idx %arg18[%add3A_143, %broadcast_in_dim3A_201], %gather3A_199 : memref<128x64xf32, #tpu.memory_space<vmem>>[vector<16xi32>, vector<16xi32>], vector<16xf32>,
        %broadcast_in_dim3A_202 = arith.constant 5 : i32
        %broadcast_in_dim3A_203 = vector.broadcast %broadcast_in_dim3A_202 : i32 to vector<16xi32>
        %gather3A_204 = tpu.vector_load_idx %arg14[%broadcast_in_dim3A_203, %get3A_144] : memref<16x8xf32, #tpu.memory_space<vmem>>[vector<16xi32>, vector<16xi32>], vector<16xf32>,
        %broadcast_in_dim3A_205 = arith.constant 5 : i32
        %broadcast_in_dim3A_206 = vector.broadcast %broadcast_in_dim3A_205 : i32 to vector<16xi32>
        tpu.vector_store_idx %arg18[%add3A_143, %broadcast_in_dim3A_206], %gather3A_204 : memref<128x64xf32, #tpu.memory_space<vmem>>[vector<16xi32>, vector<16xi32>], vector<16xf32>,
        %gather3A_207 = tpu.vector_load_idx %arg15[%broadcast_in_dim3A_203, %get3A_146] : memref<16x1000xf32, #tpu.memory_space<vmem>>[vector<16xi32>, vector<16xi32>], vector<16xf32>,
        %broadcast_in_dim3A_208 = arith.constant 21 : i32
        %broadcast_in_dim3A_209 = vector.broadcast %broadcast_in_dim3A_208 : i32 to vector<16xi32>
        tpu.vector_store_idx %arg18[%add3A_143, %broadcast_in_dim3A_209], %gather3A_207 : memref<128x64xf32, #tpu.memory_space<vmem>>[vector<16xi32>, vector<16xi32>], vector<16xf32>,
        %gather3A_210 = tpu.vector_load_idx %arg15[%broadcast_in_dim3A_203, %get3A_148] : memref<16x1000xf32, #tpu.memory_space<vmem>>[vector<16xi32>, vector<16xi32>], vector<16xf32>,
        %broadcast_in_dim3A_211 = arith.constant 37 : i32
        %broadcast_in_dim3A_212 = vector.broadcast %broadcast_in_dim3A_211 : i32 to vector<16xi32>
        tpu.vector_store_idx %arg18[%add3A_143, %broadcast_in_dim3A_212], %gather3A_210 : memref<128x64xf32, #tpu.memory_space<vmem>>[vector<16xi32>, vector<16xi32>], vector<16xf32>,
        %broadcast_in_dim3A_213 = arith.constant 6 : i32
        %broadcast_in_dim3A_214 = vector.broadcast %broadcast_in_dim3A_213 : i32 to vector<16xi32>
        %gather3A_215 = tpu.vector_load_idx %arg14[%broadcast_in_dim3A_214, %get3A_144] : memref<16x8xf32, #tpu.memory_space<vmem>>[vector<16xi32>, vector<16xi32>], vector<16xf32>,
        %broadcast_in_dim3A_216 = arith.constant 6 : i32
        %broadcast_in_dim3A_217 = vector.broadcast %broadcast_in_dim3A_216 : i32 to vector<16xi32>
        tpu.vector_store_idx %arg18[%add3A_143, %broadcast_in_dim3A_217], %gather3A_215 : memref<128x64xf32, #tpu.memory_space<vmem>>[vector<16xi32>, vector<16xi32>], vector<16xf32>,
        %gather3A_218 = tpu.vector_load_idx %arg15[%broadcast_in_dim3A_214, %get3A_146] : memref<16x1000xf32, #tpu.memory_space<vmem>>[vector<16xi32>, vector<16xi32>], vector<16xf32>,
        %broadcast_in_dim3A_219 = arith.constant 22 : i32
        %broadcast_in_dim3A_220 = vector.broadcast %broadcast_in_dim3A_219 : i32 to vector<16xi32>
        tpu.vector_store_idx %arg18[%add3A_143, %broadcast_in_dim3A_220], %gather3A_218 : memref<128x64xf32, #tpu.memory_space<vmem>>[vector<16xi32>, vector<16xi32>], vector<16xf32>,
        %gather3A_221 = tpu.vector_load_idx %arg15[%broadcast_in_dim3A_214, %get3A_148] : memref<16x1000xf32, #tpu.memory_space<vmem>>[vector<16xi32>, vector<16xi32>], vector<16xf32>,
        %broadcast_in_dim3A_222 = arith.constant 38 : i32
        %broadcast_in_dim3A_223 = vector.broadcast %broadcast_in_dim3A_222 : i32 to vector<16xi32>
        tpu.vector_store_idx %arg18[%add3A_143, %broadcast_in_dim3A_223], %gather3A_221 : memref<128x64xf32, #tpu.memory_space<vmem>>[vector<16xi32>, vector<16xi32>], vector<16xf32>,
        %broadcast_in_dim3A_224 = arith.constant 7 : i32
        %broadcast_in_dim3A_225 = vector.broadcast %broadcast_in_dim3A_224 : i32 to vector<16xi32>
        %gather3A_226 = tpu.vector_load_idx %arg14[%broadcast_in_dim3A_225, %get3A_144] : memref<16x8xf32, #tpu.memory_space<vmem>>[vector<16xi32>, vector<16xi32>], vector<16xf32>,
        %broadcast_in_dim3A_227 = arith.constant 7 : i32
        %broadcast_in_dim3A_228 = vector.broadcast %broadcast_in_dim3A_227 : i32 to vector<16xi32>
        tpu.vector_store_idx %arg18[%add3A_143, %broadcast_in_dim3A_228], %gather3A_226 : memref<128x64xf32, #tpu.memory_space<vmem>>[vector<16xi32>, vector<16xi32>], vector<16xf32>,
        %gather3A_229 = tpu.vector_load_idx %arg15[%broadcast_in_dim3A_225, %get3A_146] : memref<16x1000xf32, #tpu.memory_space<vmem>>[vector<16xi32>, vector<16xi32>], vector<16xf32>,
        %broadcast_in_dim3A_230 = arith.constant 23 : i32
        %broadcast_in_dim3A_231 = vector.broadcast %broadcast_in_dim3A_230 : i32 to vector<16xi32>
        tpu.vector_store_idx %arg18[%add3A_143, %broadcast_in_dim3A_231], %gather3A_229 : memref<128x64xf32, #tpu.memory_space<vmem>>[vector<16xi32>, vector<16xi32>], vector<16xf32>,
        %gather3A_232 = tpu.vector_load_idx %arg15[%broadcast_in_dim3A_225, %get3A_148] : memref<16x1000xf32, #tpu.memory_space<vmem>>[vector<16xi32>, vector<16xi32>], vector<16xf32>,
        %broadcast_in_dim3A_233 = arith.constant 39 : i32
        %broadcast_in_dim3A_234 = vector.broadcast %broadcast_in_dim3A_233 : i32 to vector<16xi32>
        tpu.vector_store_idx %arg18[%add3A_143, %broadcast_in_dim3A_234], %gather3A_232 : memref<128x64xf32, #tpu.memory_space<vmem>>[vector<16xi32>, vector<16xi32>], vector<16xf32>,
        %broadcast_in_dim3A_235 = arith.constant 8 : i32
        %broadcast_in_dim3A_236 = vector.broadcast %broadcast_in_dim3A_235 : i32 to vector<16xi32>
        %gather3A_237 = tpu.vector_load_idx %arg14[%broadcast_in_dim3A_236, %get3A_144] : memref<16x8xf32, #tpu.memory_space<vmem>>[vector<16xi32>, vector<16xi32>], vector<16xf32>,
        %broadcast_in_dim3A_238 = arith.constant 8 : i32
        %broadcast_in_dim3A_239 = vector.broadcast %broadcast_in_dim3A_238 : i32 to vector<16xi32>
        tpu.vector_store_idx %arg18[%add3A_143, %broadcast_in_dim3A_239], %gather3A_237 : memref<128x64xf32, #tpu.memory_space<vmem>>[vector<16xi32>, vector<16xi32>], vector<16xf32>,
        %gather3A_240 = tpu.vector_load_idx %arg15[%broadcast_in_dim3A_236, %get3A_146] : memref<16x1000xf32, #tpu.memory_space<vmem>>[vector<16xi32>, vector<16xi32>], vector<16xf32>,
        %broadcast_in_dim3A_241 = arith.constant 24 : i32
        %broadcast_in_dim3A_242 = vector.broadcast %broadcast_in_dim3A_241 : i32 to vector<16xi32>
        tpu.vector_store_idx %arg18[%add3A_143, %broadcast_in_dim3A_242], %gather3A_240 : memref<128x64xf32, #tpu.memory_space<vmem>>[vector<16xi32>, vector<16xi32>], vector<16xf32>,
        %gather3A_243 = tpu.vector_load_idx %arg15[%broadcast_in_dim3A_236, %get3A_148] : memref<16x1000xf32, #tpu.memory_space<vmem>>[vector<16xi32>, vector<16xi32>], vector<16xf32>,
        %broadcast_in_dim3A_244 = arith.constant 40 : i32
        %broadcast_in_dim3A_245 = vector.broadcast %broadcast_in_dim3A_244 : i32 to vector<16xi32>
        tpu.vector_store_idx %arg18[%add3A_143, %broadcast_in_dim3A_245], %gather3A_243 : memref<128x64xf32, #tpu.memory_space<vmem>>[vector<16xi32>, vector<16xi32>], vector<16xf32>,
        %broadcast_in_dim3A_246 = arith.constant 9 : i32
        %broadcast_in_dim3A_247 = vector.broadcast %broadcast_in_dim3A_246 : i32 to vector<16xi32>
        %gather3A_248 = tpu.vector_load_idx %arg14[%broadcast_in_dim3A_247, %get3A_144] : memref<16x8xf32, #tpu.memory_space<vmem>>[vector<16xi32>, vector<16xi32>], vector<16xf32>,
        %broadcast_in_dim3A_249 = arith.constant 9 : i32
        %broadcast_in_dim3A_250 = vector.broadcast %broadcast_in_dim3A_249 : i32 to vector<16xi32>
        tpu.vector_store_idx %arg18[%add3A_143, %broadcast_in_dim3A_250], %gather3A_248 : memref<128x64xf32, #tpu.memory_space<vmem>>[vector<16xi32>, vector<16xi32>], vector<16xf32>,
        %gather3A_251 = tpu.vector_load_idx %arg15[%broadcast_in_dim3A_247, %get3A_146] : memref<16x1000xf32, #tpu.memory_space<vmem>>[vector<16xi32>, vector<16xi32>], vector<16xf32>,
        %broadcast_in_dim3A_252 = arith.constant 25 : i32
        %broadcast_in_dim3A_253 = vector.broadcast %broadcast_in_dim3A_252 : i32 to vector<16xi32>
        tpu.vector_store_idx %arg18[%add3A_143, %broadcast_in_dim3A_253], %gather3A_251 : memref<128x64xf32, #tpu.memory_space<vmem>>[vector<16xi32>, vector<16xi32>], vector<16xf32>,
        %gather3A_254 = tpu.vector_load_idx %arg15[%broadcast_in_dim3A_247, %get3A_148] : memref<16x1000xf32, #tpu.memory_space<vmem>>[vector<16xi32>, vector<16xi32>], vector<16xf32>,
        %broadcast_in_dim3A_255 = arith.constant 41 : i32
        %broadcast_in_dim3A_256 = vector.broadcast %broadcast_in_dim3A_255 : i32 to vector<16xi32>
        tpu.vector_store_idx %arg18[%add3A_143, %broadcast_in_dim3A_256], %gather3A_254 : memref<128x64xf32, #tpu.memory_space<vmem>>[vector<16xi32>, vector<16xi32>], vector<16xf32>,
        %broadcast_in_dim3A_257 = arith.constant 10 : i32
        %broadcast_in_dim3A_258 = vector.broadcast %broadcast_in_dim3A_257 : i32 to vector<16xi32>
        %gather3A_259 = tpu.vector_load_idx %arg14[%broadcast_in_dim3A_258, %get3A_144] : memref<16x8xf32, #tpu.memory_space<vmem>>[vector<16xi32>, vector<16xi32>], vector<16xf32>,
        %broadcast_in_dim3A_260 = arith.constant 10 : i32
        %broadcast_in_dim3A_261 = vector.broadcast %broadcast_in_dim3A_260 : i32 to vector<16xi32>
        tpu.vector_store_idx %arg18[%add3A_143, %broadcast_in_dim3A_261], %gather3A_259 : memref<128x64xf32, #tpu.memory_space<vmem>>[vector<16xi32>, vector<16xi32>], vector<16xf32>,
        %gather3A_262 = tpu.vector_load_idx %arg15[%broadcast_in_dim3A_258, %get3A_146] : memref<16x1000xf32, #tpu.memory_space<vmem>>[vector<16xi32>, vector<16xi32>], vector<16xf32>,
        %broadcast_in_dim3A_263 = arith.constant 26 : i32
        %broadcast_in_dim3A_264 = vector.broadcast %broadcast_in_dim3A_263 : i32 to vector<16xi32>
        tpu.vector_store_idx %arg18[%add3A_143, %broadcast_in_dim3A_264], %gather3A_262 : memref<128x64xf32, #tpu.memory_space<vmem>>[vector<16xi32>, vector<16xi32>], vector<16xf32>,
        %gather3A_265 = tpu.vector_load_idx %arg15[%broadcast_in_dim3A_258, %get3A_148] : memref<16x1000xf32, #tpu.memory_space<vmem>>[vector<16xi32>, vector<16xi32>], vector<16xf32>,
        %broadcast_in_dim3A_266 = arith.constant 42 : i32
        %broadcast_in_dim3A_267 = vector.broadcast %broadcast_in_dim3A_266 : i32 to vector<16xi32>
        tpu.vector_store_idx %arg18[%add3A_143, %broadcast_in_dim3A_267], %gather3A_265 : memref<128x64xf32, #tpu.memory_space<vmem>>[vector<16xi32>, vector<16xi32>], vector<16xf32>,
        %broadcast_in_dim3A_268 = arith.constant 11 : i32
        %broadcast_in_dim3A_269 = vector.broadcast %broadcast_in_dim3A_268 : i32 to vector<16xi32>
        %gather3A_270 = tpu.vector_load_idx %arg14[%broadcast_in_dim3A_269, %get3A_144] : memref<16x8xf32, #tpu.memory_space<vmem>>[vector<16xi32>, vector<16xi32>], vector<16xf32>,
        %broadcast_in_dim3A_271 = arith.constant 11 : i32
        %broadcast_in_dim3A_272 = vector.broadcast %broadcast_in_dim3A_271 : i32 to vector<16xi32>
        tpu.vector_store_idx %arg18[%add3A_143, %broadcast_in_dim3A_272], %gather3A_270 : memref<128x64xf32, #tpu.memory_space<vmem>>[vector<16xi32>, vector<16xi32>], vector<16xf32>,
        %gather3A_273 = tpu.vector_load_idx %arg15[%broadcast_in_dim3A_269, %get3A_146] : memref<16x1000xf32, #tpu.memory_space<vmem>>[vector<16xi32>, vector<16xi32>], vector<16xf32>,
        %broadcast_in_dim3A_274 = arith.constant 27 : i32
        %broadcast_in_dim3A_275 = vector.broadcast %broadcast_in_dim3A_274 : i32 to vector<16xi32>
        tpu.vector_store_idx %arg18[%add3A_143, %broadcast_in_dim3A_275], %gather3A_273 : memref<128x64xf32, #tpu.memory_space<vmem>>[vector<16xi32>, vector<16xi32>], vector<16xf32>,
        %gather3A_276 = tpu.vector_load_idx %arg15[%broadcast_in_dim3A_269, %get3A_148] : memref<16x1000xf32, #tpu.memory_space<vmem>>[vector<16xi32>, vector<16xi32>], vector<16xf32>,
        %broadcast_in_dim3A_277 = arith.constant 43 : i32
        %broadcast_in_dim3A_278 = vector.broadcast %broadcast_in_dim3A_277 : i32 to vector<16xi32>
        tpu.vector_store_idx %arg18[%add3A_143, %broadcast_in_dim3A_278], %gather3A_276 : memref<128x64xf32, #tpu.memory_space<vmem>>[vector<16xi32>, vector<16xi32>], vector<16xf32>,
        %broadcast_in_dim3A_279 = arith.constant 12 : i32
        %broadcast_in_dim3A_280 = vector.broadcast %broadcast_in_dim3A_279 : i32 to vector<16xi32>
        %gather3A_281 = tpu.vector_load_idx %arg14[%broadcast_in_dim3A_280, %get3A_144] : memref<16x8xf32, #tpu.memory_space<vmem>>[vector<16xi32>, vector<16xi32>], vector<16xf32>,
        %broadcast_in_dim3A_282 = arith.constant 12 : i32
        %broadcast_in_dim3A_283 = vector.broadcast %broadcast_in_dim3A_282 : i32 to vector<16xi32>
        tpu.vector_store_idx %arg18[%add3A_143, %broadcast_in_dim3A_283], %gather3A_281 : memref<128x64xf32, #tpu.memory_space<vmem>>[vector<16xi32>, vector<16xi32>], vector<16xf32>,
        %gather3A_284 = tpu.vector_load_idx %arg15[%broadcast_in_dim3A_280, %get3A_146] : memref<16x1000xf32, #tpu.memory_space<vmem>>[vector<16xi32>, vector<16xi32>], vector<16xf32>,
        %broadcast_in_dim3A_285 = arith.constant 28 : i32
        %broadcast_in_dim3A_286 = vector.broadcast %broadcast_in_dim3A_285 : i32 to vector<16xi32>
        tpu.vector_store_idx %arg18[%add3A_143, %broadcast_in_dim3A_286], %gather3A_284 : memref<128x64xf32, #tpu.memory_space<vmem>>[vector<16xi32>, vector<16xi32>], vector<16xf32>,
        %gather3A_287 = tpu.vector_load_idx %arg15[%broadcast_in_dim3A_280, %get3A_148] : memref<16x1000xf32, #tpu.memory_space<vmem>>[vector<16xi32>, vector<16xi32>], vector<16xf32>,
        %broadcast_in_dim3A_288 = arith.constant 44 : i32
        %broadcast_in_dim3A_289 = vector.broadcast %broadcast_in_dim3A_288 : i32 to vector<16xi32>
        tpu.vector_store_idx %arg18[%add3A_143, %broadcast_in_dim3A_289], %gather3A_287 : memref<128x64xf32, #tpu.memory_space<vmem>>[vector<16xi32>, vector<16xi32>], vector<16xf32>,
        %broadcast_in_dim3A_290 = arith.constant 13 : i32
        %broadcast_in_dim3A_291 = vector.broadcast %broadcast_in_dim3A_290 : i32 to vector<16xi32>
        %gather3A_292 = tpu.vector_load_idx %arg14[%broadcast_in_dim3A_291, %get3A_144] : memref<16x8xf32, #tpu.memory_space<vmem>>[vector<16xi32>, vector<16xi32>], vector<16xf32>,
        %broadcast_in_dim3A_293 = arith.constant 13 : i32
        %broadcast_in_dim3A_294 = vector.broadcast %broadcast_in_dim3A_293 : i32 to vector<16xi32>
        tpu.vector_store_idx %arg18[%add3A_143, %broadcast_in_dim3A_294], %gather3A_292 : memref<128x64xf32, #tpu.memory_space<vmem>>[vector<16xi32>, vector<16xi32>], vector<16xf32>,
        %gather3A_295 = tpu.vector_load_idx %arg15[%broadcast_in_dim3A_291, %get3A_146] : memref<16x1000xf32, #tpu.memory_space<vmem>>[vector<16xi32>, vector<16xi32>], vector<16xf32>,
        %broadcast_in_dim3A_296 = arith.constant 29 : i32
        %broadcast_in_dim3A_297 = vector.broadcast %broadcast_in_dim3A_296 : i32 to vector<16xi32>
        tpu.vector_store_idx %arg18[%add3A_143, %broadcast_in_dim3A_297], %gather3A_295 : memref<128x64xf32, #tpu.memory_space<vmem>>[vector<16xi32>, vector<16xi32>], vector<16xf32>,
        %gather3A_298 = tpu.vector_load_idx %arg15[%broadcast_in_dim3A_291, %get3A_148] : memref<16x1000xf32, #tpu.memory_space<vmem>>[vector<16xi32>, vector<16xi32>], vector<16xf32>,
        %broadcast_in_dim3A_299 = arith.constant 45 : i32
        %broadcast_in_dim3A_300 = vector.broadcast %broadcast_in_dim3A_299 : i32 to vector<16xi32>
        tpu.vector_store_idx %arg18[%add3A_143, %broadcast_in_dim3A_300], %gather3A_298 : memref<128x64xf32, #tpu.memory_space<vmem>>[vector<16xi32>, vector<16xi32>], vector<16xf32>,
        %broadcast_in_dim3A_301 = arith.constant 14 : i32
        %broadcast_in_dim3A_302 = vector.broadcast %broadcast_in_dim3A_301 : i32 to vector<16xi32>
        %gather3A_303 = tpu.vector_load_idx %arg14[%broadcast_in_dim3A_302, %get3A_144] : memref<16x8xf32, #tpu.memory_space<vmem>>[vector<16xi32>, vector<16xi32>], vector<16xf32>,
        %broadcast_in_dim3A_304 = arith.constant 14 : i32
        %broadcast_in_dim3A_305 = vector.broadcast %broadcast_in_dim3A_304 : i32 to vector<16xi32>
        tpu.vector_store_idx %arg18[%add3A_143, %broadcast_in_dim3A_305], %gather3A_303 : memref<128x64xf32, #tpu.memory_space<vmem>>[vector<16xi32>, vector<16xi32>], vector<16xf32>,
        %gather3A_306 = tpu.vector_load_idx %arg15[%broadcast_in_dim3A_302, %get3A_146] : memref<16x1000xf32, #tpu.memory_space<vmem>>[vector<16xi32>, vector<16xi32>], vector<16xf32>,
        %broadcast_in_dim3A_307 = arith.constant 30 : i32
        %broadcast_in_dim3A_308 = vector.broadcast %broadcast_in_dim3A_307 : i32 to vector<16xi32>
        tpu.vector_store_idx %arg18[%add3A_143, %broadcast_in_dim3A_308], %gather3A_306 : memref<128x64xf32, #tpu.memory_space<vmem>>[vector<16xi32>, vector<16xi32>], vector<16xf32>,
        %gather3A_309 = tpu.vector_load_idx %arg15[%broadcast_in_dim3A_302, %get3A_148] : memref<16x1000xf32, #tpu.memory_space<vmem>>[vector<16xi32>, vector<16xi32>], vector<16xf32>,
        %broadcast_in_dim3A_310 = arith.constant 46 : i32
        %broadcast_in_dim3A_311 = vector.broadcast %broadcast_in_dim3A_310 : i32 to vector<16xi32>
        tpu.vector_store_idx %arg18[%add3A_143, %broadcast_in_dim3A_311], %gather3A_309 : memref<128x64xf32, #tpu.memory_space<vmem>>[vector<16xi32>, vector<16xi32>], vector<16xf32>,
        %broadcast_in_dim3A_312 = arith.constant 15 : i32
        %broadcast_in_dim3A_313 = vector.broadcast %broadcast_in_dim3A_312 : i32 to vector<16xi32>
        %gather3A_314 = tpu.vector_load_idx %arg14[%broadcast_in_dim3A_313, %get3A_144] : memref<16x8xf32, #tpu.memory_space<vmem>>[vector<16xi32>, vector<16xi32>], vector<16xf32>,
        %broadcast_in_dim3A_315 = arith.constant 15 : i32
        %broadcast_in_dim3A_316 = vector.broadcast %broadcast_in_dim3A_315 : i32 to vector<16xi32>
        tpu.vector_store_idx %arg18[%add3A_143, %broadcast_in_dim3A_316], %gather3A_314 : memref<128x64xf32, #tpu.memory_space<vmem>>[vector<16xi32>, vector<16xi32>], vector<16xf32>,
        %gather3A_317 = tpu.vector_load_idx %arg15[%broadcast_in_dim3A_313, %get3A_146] : memref<16x1000xf32, #tpu.memory_space<vmem>>[vector<16xi32>, vector<16xi32>], vector<16xf32>,
        %broadcast_in_dim3A_318 = arith.constant 31 : i32
        %broadcast_in_dim3A_319 = vector.broadcast %broadcast_in_dim3A_318 : i32 to vector<16xi32>
        tpu.vector_store_idx %arg18[%add3A_143, %broadcast_in_dim3A_319], %gather3A_317 : memref<128x64xf32, #tpu.memory_space<vmem>>[vector<16xi32>, vector<16xi32>], vector<16xf32>,
        %gather3A_320 = tpu.vector_load_idx %arg15[%broadcast_in_dim3A_313, %get3A_148] : memref<16x1000xf32, #tpu.memory_space<vmem>>[vector<16xi32>, vector<16xi32>], vector<16xf32>,
        %broadcast_in_dim3A_321 = arith.constant 47 : i32
        %broadcast_in_dim3A_322 = vector.broadcast %broadcast_in_dim3A_321 : i32 to vector<16xi32>
        tpu.vector_store_idx %arg18[%add3A_143, %broadcast_in_dim3A_322], %gather3A_320 : memref<128x64xf32, #tpu.memory_space<vmem>>[vector<16xi32>, vector<16xi32>], vector<16xf32>,
      }
      %scan3A_65 = arith.constant 8 : i32
      %gt3A = arith.constant 0 : i32
      %gt3A_66 = arith.cmpi sgt, %scan3A_55, %gt3A : i32
      %convert_element_type3A = arith.extui %gt3A_66 : i1 to i32
      %cond3A = arith.constant 0 : i32
      %cond3A_67 = arith.cmpi ne, %convert_element_type3A, %cond3A : i32
      scf.if %cond3A_67 {
        %sub3A = arith.constant 1 : i32
        %sub3A_134 = arith.subi %mul3A_57, %sub3A : i32
        %mul3A_135 = arith.constant 128 : i32
        %mul3A_136 = arith.muli %sub3A_134, %mul3A_135 : i32
        %add3A_137 = arith.addi %mul3A_2, %mul3A_136 : i32
        %dma_wait3A_138 = arith.constant 0 : i32
        %dma_wait3A_139 = tpu.memref_slice %arg9[%add3A_137, %dma_wait3A_138] : memref<204800x128xf32, #tpu.memory_space<hbm>> -> memref<128x64xf32, #tpu.memory_space<hbm>>
        %dma_wait3A_140 = arith.constant 0 : i32
        %dma_wait3A_141 = tpu.memref_slice %arg9[%add3A_137, %dma_wait3A_140] : memref<204800x128xf32, #tpu.memory_space<hbm>> -> memref<128x64xf32, #tpu.memory_space<hbm>>
        tpu.wait_dma2 semaphore(%arg24 : memref<!tpu.dma_semaphore, #tpu.memory_space<semaphore_mem>>) src(%arg17 : memref<128x64xf32, #tpu.memory_space<vmem>>) dst(%dma_wait3A_141 : memref<128x64xf32, #tpu.memory_space<hbm>>)
        %dma_wait3A_142 = arith.constant 64 : i32
        %dma_wait3A_143 = tpu.memref_slice %arg9[%add3A_137, %dma_wait3A_142] : memref<204800x128xf32, #tpu.memory_space<hbm>> -> memref<128x64xf32, #tpu.memory_space<hbm>>
        %dma_wait3A_144 = arith.constant 64 : i32
        %dma_wait3A_145 = tpu.memref_slice %arg9[%add3A_137, %dma_wait3A_144] : memref<204800x128xf32, #tpu.memory_space<hbm>> -> memref<128x64xf32, #tpu.memory_space<hbm>>
        tpu.wait_dma2 semaphore(%arg24 : memref<!tpu.dma_semaphore, #tpu.memory_space<semaphore_mem>>) src(%arg19 : memref<128x64xf32, #tpu.memory_space<vmem>>) dst(%dma_wait3A_145 : memref<128x64xf32, #tpu.memory_space<hbm>>)
      } else {
      }
      %dma_start3A_68 = arith.constant 0 : i32
      %dma_start3A_69 = tpu.memref_slice %arg10[%add3A_59, %dma_start3A_68] : memref<50x128xi32, #tpu.memory_space<vmem>> -> memref<1x128xi32, #tpu.memory_space<vmem>>
      %dma_start3A_70 = tpu.memref_squeeze %dma_start3A_69 : memref<1x128xi32, #tpu.memory_space<vmem>> -> memref<128xi32, #tpu.memory_space<vmem>>
      %dma_start3A_71 = arith.constant 0 : i32
      %dma_start3A_72 = arith.constant 0 : i32
      %dma_start3A_73 = tpu.memref_slice %arg6[%dma_start3A_71, %dma_start3A_72] : memref<1000000x64xf32, #tpu.memory_space<hbm>> -> memref<1000000x64xf32, #tpu.memory_space<hbm>>
      tpu.enqueue_indirect_dma source(%dma_start3A_73 : memref<1000000x64xf32, #tpu.memory_space<hbm>>) target(%arg17 : memref<128x64xf32, #tpu.memory_space<vmem>>) offsets(%dma_start3A_70 : memref<128xi32, #tpu.memory_space<vmem>>) semaphore(%arg22 : memref<!tpu.dma_semaphore, #tpu.memory_space<semaphore_mem>>)
      %dma_wait3A_74 = arith.constant 0 : i32
      %dma_wait3A_75 = tpu.memref_slice %arg10[%mul3A_57, %dma_wait3A_74] : memref<50x128xi32, #tpu.memory_space<vmem>> -> memref<1x128xi32, #tpu.memory_space<vmem>>
      %dma_wait3A_76 = tpu.memref_squeeze %dma_wait3A_75 : memref<1x128xi32, #tpu.memory_space<vmem>> -> memref<128xi32, #tpu.memory_space<vmem>>
      %dma_wait3A_77 = arith.constant 0 : i32
      %dma_wait3A_78 = arith.constant 0 : i32
      %dma_wait3A_79 = tpu.memref_slice %arg6[%dma_wait3A_77, %dma_wait3A_78] : memref<1000000x64xf32, #tpu.memory_space<hbm>> -> memref<1000000x64xf32, #tpu.memory_space<hbm>>
      tpu.wait_indirect_dma semaphore(%arg21 : memref<!tpu.dma_semaphore, #tpu.memory_space<semaphore_mem>>) src(%dma_wait3A_79 : memref<1000000x64xf32, #tpu.memory_space<hbm>>) dst(%arg16 : memref<128x64xf32, #tpu.memory_space<vmem>>)
      %mul3A_80 = arith.constant 128 : i32
      %mul3A_81 = arith.muli %mul3A_57, %mul3A_80 : i32
      %add3A_82 = arith.addi %mul3A_2, %mul3A_81 : i32
      %dma_start3A_83 = arith.constant 0 : i32
      %dma_start3A_84 = tpu.memref_slice %arg9[%add3A_82, %dma_start3A_83] : memref<204800x128xf32, #tpu.memory_space<hbm>> -> memref<128x64xf32, #tpu.memory_space<hbm>>
      %dma_start3A_85 = arith.constant 0 : i32
      %dma_start3A_86 = tpu.memref_slice %arg9[%add3A_82, %dma_start3A_85] : memref<204800x128xf32, #tpu.memory_space<hbm>> -> memref<128x64xf32, #tpu.memory_space<hbm>>
      tpu.enqueue_dma source(%arg16 : memref<128x64xf32, #tpu.memory_space<vmem>>) target(%dma_start3A_86 : memref<128x64xf32, #tpu.memory_space<hbm>>) target_semaphore(%arg23 : memref<!tpu.dma_semaphore, #tpu.memory_space<semaphore_mem>>)
      %dma_start3A_87 = arith.constant 64 : i32
      %dma_start3A_88 = tpu.memref_slice %arg9[%add3A_82, %dma_start3A_87] : memref<204800x128xf32, #tpu.memory_space<hbm>> -> memref<128x64xf32, #tpu.memory_space<hbm>>
      %dma_start3A_89 = arith.constant 64 : i32
      %dma_start3A_90 = tpu.memref_slice %arg9[%add3A_82, %dma_start3A_89] : memref<204800x128xf32, #tpu.memory_space<hbm>> -> memref<128x64xf32, #tpu.memory_space<hbm>>
      tpu.enqueue_dma source(%arg18 : memref<128x64xf32, #tpu.memory_space<vmem>>) target(%dma_start3A_90 : memref<128x64xf32, #tpu.memory_space<hbm>>) target_semaphore(%arg23 : memref<!tpu.dma_semaphore, #tpu.memory_space<semaphore_mem>>)
      %scan3A_91 = arith.constant 0 : i32
      %scan3A_92 = arith.constant 0 : i32
      %scan3A_93 = arith.constant 8 : i32
      %scan3A_94 = arith.addi %scan3A_92, %scan3A_93 : i32
      %scan3A_95 = arith.constant 1 : i32
      scf.for %scan3A_134 = %scan3A_92 to %scan3A_94 step %scan3A_95  : i32 {
        %mul3A_135 = arith.constant 128 : i32
        %mul3A_136 = arith.muli %add3A_59, %mul3A_135 : i32
        %mul3A_137 = arith.constant 16 : i32
        %mul3A_138 = arith.muli %scan3A_134, %mul3A_137 : i32
        %add3A_139 = arith.addi %mul3A_136, %mul3A_138 : i32
        %mul3A_140 = arith.constant 16 : i32
        %mul3A_141 = arith.muli %scan3A_134, %mul3A_140 : i32
        %add3A_142 = vector.broadcast %mul3A_141 : i32 to vector<16xi32>
        %add3A_143 = arith.addi %add3A_142, %iota3A : vector<16xi32>
        %get3A = arith.index_cast %add3A_139 : i32 to index
        %get3A_144 = tpu.vector_load %arg11[%get3A] {strides = array<i32>} : memref<6400xi32, #tpu.memory_space<vmem>>, vector<16xi32>,
        %get3A_145 = arith.index_cast %add3A_139 : i32 to index
        %get3A_146 = tpu.vector_load %arg12[%get3A_145] {strides = array<i32>} : memref<6400xi32, #tpu.memory_space<vmem>>, vector<16xi32>,
        %get3A_147 = arith.index_cast %add3A_139 : i32 to index
        %get3A_148 = tpu.vector_load %arg13[%get3A_147] {strides = array<i32>} : memref<6400xi32, #tpu.memory_space<vmem>>, vector<16xi32>,
        %broadcast_in_dim3A = arith.constant 0 : i32
        %broadcast_in_dim3A_149 = vector.broadcast %broadcast_in_dim3A : i32 to vector<16xi32>
        %gather3A = tpu.vector_load_idx %arg14[%broadcast_in_dim3A_149, %get3A_144] : memref<16x8xf32, #tpu.memory_space<vmem>>[vector<16xi32>, vector<16xi32>], vector<16xf32>,
        %broadcast_in_dim3A_150 = arith.constant 0 : i32
        %broadcast_in_dim3A_151 = vector.broadcast %broadcast_in_dim3A_150 : i32 to vector<16xi32>
        tpu.vector_store_idx %arg19[%add3A_143, %broadcast_in_dim3A_151], %gather3A : memref<128x64xf32, #tpu.memory_space<vmem>>[vector<16xi32>, vector<16xi32>], vector<16xf32>,
        %gather3A_152 = tpu.vector_load_idx %arg15[%broadcast_in_dim3A_149, %get3A_146] : memref<16x1000xf32, #tpu.memory_space<vmem>>[vector<16xi32>, vector<16xi32>], vector<16xf32>,
        %broadcast_in_dim3A_153 = arith.constant 16 : i32
        %broadcast_in_dim3A_154 = vector.broadcast %broadcast_in_dim3A_153 : i32 to vector<16xi32>
        tpu.vector_store_idx %arg19[%add3A_143, %broadcast_in_dim3A_154], %gather3A_152 : memref<128x64xf32, #tpu.memory_space<vmem>>[vector<16xi32>, vector<16xi32>], vector<16xf32>,
        %gather3A_155 = tpu.vector_load_idx %arg15[%broadcast_in_dim3A_149, %get3A_148] : memref<16x1000xf32, #tpu.memory_space<vmem>>[vector<16xi32>, vector<16xi32>], vector<16xf32>,
        %broadcast_in_dim3A_156 = arith.constant 32 : i32
        %broadcast_in_dim3A_157 = vector.broadcast %broadcast_in_dim3A_156 : i32 to vector<16xi32>
        tpu.vector_store_idx %arg19[%add3A_143, %broadcast_in_dim3A_157], %gather3A_155 : memref<128x64xf32, #tpu.memory_space<vmem>>[vector<16xi32>, vector<16xi32>], vector<16xf32>,
        %broadcast_in_dim3A_158 = arith.constant 1 : i32
        %broadcast_in_dim3A_159 = vector.broadcast %broadcast_in_dim3A_158 : i32 to vector<16xi32>
        %gather3A_160 = tpu.vector_load_idx %arg14[%broadcast_in_dim3A_159, %get3A_144] : memref<16x8xf32, #tpu.memory_space<vmem>>[vector<16xi32>, vector<16xi32>], vector<16xf32>,
        %broadcast_in_dim3A_161 = arith.constant 1 : i32
        %broadcast_in_dim3A_162 = vector.broadcast %broadcast_in_dim3A_161 : i32 to vector<16xi32>
        tpu.vector_store_idx %arg19[%add3A_143, %broadcast_in_dim3A_162], %gather3A_160 : memref<128x64xf32, #tpu.memory_space<vmem>>[vector<16xi32>, vector<16xi32>], vector<16xf32>,
        %gather3A_163 = tpu.vector_load_idx %arg15[%broadcast_in_dim3A_159, %get3A_146] : memref<16x1000xf32, #tpu.memory_space<vmem>>[vector<16xi32>, vector<16xi32>], vector<16xf32>,
        %broadcast_in_dim3A_164 = arith.constant 17 : i32
        %broadcast_in_dim3A_165 = vector.broadcast %broadcast_in_dim3A_164 : i32 to vector<16xi32>
        tpu.vector_store_idx %arg19[%add3A_143, %broadcast_in_dim3A_165], %gather3A_163 : memref<128x64xf32, #tpu.memory_space<vmem>>[vector<16xi32>, vector<16xi32>], vector<16xf32>,
        %gather3A_166 = tpu.vector_load_idx %arg15[%broadcast_in_dim3A_159, %get3A_148] : memref<16x1000xf32, #tpu.memory_space<vmem>>[vector<16xi32>, vector<16xi32>], vector<16xf32>,
        %broadcast_in_dim3A_167 = arith.constant 33 : i32
        %broadcast_in_dim3A_168 = vector.broadcast %broadcast_in_dim3A_167 : i32 to vector<16xi32>
        tpu.vector_store_idx %arg19[%add3A_143, %broadcast_in_dim3A_168], %gather3A_166 : memref<128x64xf32, #tpu.memory_space<vmem>>[vector<16xi32>, vector<16xi32>], vector<16xf32>,
        %broadcast_in_dim3A_169 = arith.constant 2 : i32
        %broadcast_in_dim3A_170 = vector.broadcast %broadcast_in_dim3A_169 : i32 to vector<16xi32>
        %gather3A_171 = tpu.vector_load_idx %arg14[%broadcast_in_dim3A_170, %get3A_144] : memref<16x8xf32, #tpu.memory_space<vmem>>[vector<16xi32>, vector<16xi32>], vector<16xf32>,
        %broadcast_in_dim3A_172 = arith.constant 2 : i32
        %broadcast_in_dim3A_173 = vector.broadcast %broadcast_in_dim3A_172 : i32 to vector<16xi32>
        tpu.vector_store_idx %arg19[%add3A_143, %broadcast_in_dim3A_173], %gather3A_171 : memref<128x64xf32, #tpu.memory_space<vmem>>[vector<16xi32>, vector<16xi32>], vector<16xf32>,
        %gather3A_174 = tpu.vector_load_idx %arg15[%broadcast_in_dim3A_170, %get3A_146] : memref<16x1000xf32, #tpu.memory_space<vmem>>[vector<16xi32>, vector<16xi32>], vector<16xf32>,
        %broadcast_in_dim3A_175 = arith.constant 18 : i32
        %broadcast_in_dim3A_176 = vector.broadcast %broadcast_in_dim3A_175 : i32 to vector<16xi32>
        tpu.vector_store_idx %arg19[%add3A_143, %broadcast_in_dim3A_176], %gather3A_174 : memref<128x64xf32, #tpu.memory_space<vmem>>[vector<16xi32>, vector<16xi32>], vector<16xf32>,
        %gather3A_177 = tpu.vector_load_idx %arg15[%broadcast_in_dim3A_170, %get3A_148] : memref<16x1000xf32, #tpu.memory_space<vmem>>[vector<16xi32>, vector<16xi32>], vector<16xf32>,
        %broadcast_in_dim3A_178 = arith.constant 34 : i32
        %broadcast_in_dim3A_179 = vector.broadcast %broadcast_in_dim3A_178 : i32 to vector<16xi32>
        tpu.vector_store_idx %arg19[%add3A_143, %broadcast_in_dim3A_179], %gather3A_177 : memref<128x64xf32, #tpu.memory_space<vmem>>[vector<16xi32>, vector<16xi32>], vector<16xf32>,
        %broadcast_in_dim3A_180 = arith.constant 3 : i32
        %broadcast_in_dim3A_181 = vector.broadcast %broadcast_in_dim3A_180 : i32 to vector<16xi32>
        %gather3A_182 = tpu.vector_load_idx %arg14[%broadcast_in_dim3A_181, %get3A_144] : memref<16x8xf32, #tpu.memory_space<vmem>>[vector<16xi32>, vector<16xi32>], vector<16xf32>,
        %broadcast_in_dim3A_183 = arith.constant 3 : i32
        %broadcast_in_dim3A_184 = vector.broadcast %broadcast_in_dim3A_183 : i32 to vector<16xi32>
        tpu.vector_store_idx %arg19[%add3A_143, %broadcast_in_dim3A_184], %gather3A_182 : memref<128x64xf32, #tpu.memory_space<vmem>>[vector<16xi32>, vector<16xi32>], vector<16xf32>,
        %gather3A_185 = tpu.vector_load_idx %arg15[%broadcast_in_dim3A_181, %get3A_146] : memref<16x1000xf32, #tpu.memory_space<vmem>>[vector<16xi32>, vector<16xi32>], vector<16xf32>,
        %broadcast_in_dim3A_186 = arith.constant 19 : i32
        %broadcast_in_dim3A_187 = vector.broadcast %broadcast_in_dim3A_186 : i32 to vector<16xi32>
        tpu.vector_store_idx %arg19[%add3A_143, %broadcast_in_dim3A_187], %gather3A_185 : memref<128x64xf32, #tpu.memory_space<vmem>>[vector<16xi32>, vector<16xi32>], vector<16xf32>,
        %gather3A_188 = tpu.vector_load_idx %arg15[%broadcast_in_dim3A_181, %get3A_148] : memref<16x1000xf32, #tpu.memory_space<vmem>>[vector<16xi32>, vector<16xi32>], vector<16xf32>,
        %broadcast_in_dim3A_189 = arith.constant 35 : i32
        %broadcast_in_dim3A_190 = vector.broadcast %broadcast_in_dim3A_189 : i32 to vector<16xi32>
        tpu.vector_store_idx %arg19[%add3A_143, %broadcast_in_dim3A_190], %gather3A_188 : memref<128x64xf32, #tpu.memory_space<vmem>>[vector<16xi32>, vector<16xi32>], vector<16xf32>,
        %broadcast_in_dim3A_191 = arith.constant 4 : i32
        %broadcast_in_dim3A_192 = vector.broadcast %broadcast_in_dim3A_191 : i32 to vector<16xi32>
        %gather3A_193 = tpu.vector_load_idx %arg14[%broadcast_in_dim3A_192, %get3A_144] : memref<16x8xf32, #tpu.memory_space<vmem>>[vector<16xi32>, vector<16xi32>], vector<16xf32>,
        %broadcast_in_dim3A_194 = arith.constant 4 : i32
        %broadcast_in_dim3A_195 = vector.broadcast %broadcast_in_dim3A_194 : i32 to vector<16xi32>
        tpu.vector_store_idx %arg19[%add3A_143, %broadcast_in_dim3A_195], %gather3A_193 : memref<128x64xf32, #tpu.memory_space<vmem>>[vector<16xi32>, vector<16xi32>], vector<16xf32>,
        %gather3A_196 = tpu.vector_load_idx %arg15[%broadcast_in_dim3A_192, %get3A_146] : memref<16x1000xf32, #tpu.memory_space<vmem>>[vector<16xi32>, vector<16xi32>], vector<16xf32>,
        %broadcast_in_dim3A_197 = arith.constant 20 : i32
        %broadcast_in_dim3A_198 = vector.broadcast %broadcast_in_dim3A_197 : i32 to vector<16xi32>
        tpu.vector_store_idx %arg19[%add3A_143, %broadcast_in_dim3A_198], %gather3A_196 : memref<128x64xf32, #tpu.memory_space<vmem>>[vector<16xi32>, vector<16xi32>], vector<16xf32>,
        %gather3A_199 = tpu.vector_load_idx %arg15[%broadcast_in_dim3A_192, %get3A_148] : memref<16x1000xf32, #tpu.memory_space<vmem>>[vector<16xi32>, vector<16xi32>], vector<16xf32>,
        %broadcast_in_dim3A_200 = arith.constant 36 : i32
        %broadcast_in_dim3A_201 = vector.broadcast %broadcast_in_dim3A_200 : i32 to vector<16xi32>
        tpu.vector_store_idx %arg19[%add3A_143, %broadcast_in_dim3A_201], %gather3A_199 : memref<128x64xf32, #tpu.memory_space<vmem>>[vector<16xi32>, vector<16xi32>], vector<16xf32>,
        %broadcast_in_dim3A_202 = arith.constant 5 : i32
        %broadcast_in_dim3A_203 = vector.broadcast %broadcast_in_dim3A_202 : i32 to vector<16xi32>
        %gather3A_204 = tpu.vector_load_idx %arg14[%broadcast_in_dim3A_203, %get3A_144] : memref<16x8xf32, #tpu.memory_space<vmem>>[vector<16xi32>, vector<16xi32>], vector<16xf32>,
        %broadcast_in_dim3A_205 = arith.constant 5 : i32
        %broadcast_in_dim3A_206 = vector.broadcast %broadcast_in_dim3A_205 : i32 to vector<16xi32>
        tpu.vector_store_idx %arg19[%add3A_143, %broadcast_in_dim3A_206], %gather3A_204 : memref<128x64xf32, #tpu.memory_space<vmem>>[vector<16xi32>, vector<16xi32>], vector<16xf32>,
        %gather3A_207 = tpu.vector_load_idx %arg15[%broadcast_in_dim3A_203, %get3A_146] : memref<16x1000xf32, #tpu.memory_space<vmem>>[vector<16xi32>, vector<16xi32>], vector<16xf32>,
        %broadcast_in_dim3A_208 = arith.constant 21 : i32
        %broadcast_in_dim3A_209 = vector.broadcast %broadcast_in_dim3A_208 : i32 to vector<16xi32>
        tpu.vector_store_idx %arg19[%add3A_143, %broadcast_in_dim3A_209], %gather3A_207 : memref<128x64xf32, #tpu.memory_space<vmem>>[vector<16xi32>, vector<16xi32>], vector<16xf32>,
        %gather3A_210 = tpu.vector_load_idx %arg15[%broadcast_in_dim3A_203, %get3A_148] : memref<16x1000xf32, #tpu.memory_space<vmem>>[vector<16xi32>, vector<16xi32>], vector<16xf32>,
        %broadcast_in_dim3A_211 = arith.constant 37 : i32
        %broadcast_in_dim3A_212 = vector.broadcast %broadcast_in_dim3A_211 : i32 to vector<16xi32>
        tpu.vector_store_idx %arg19[%add3A_143, %broadcast_in_dim3A_212], %gather3A_210 : memref<128x64xf32, #tpu.memory_space<vmem>>[vector<16xi32>, vector<16xi32>], vector<16xf32>,
        %broadcast_in_dim3A_213 = arith.constant 6 : i32
        %broadcast_in_dim3A_214 = vector.broadcast %broadcast_in_dim3A_213 : i32 to vector<16xi32>
        %gather3A_215 = tpu.vector_load_idx %arg14[%broadcast_in_dim3A_214, %get3A_144] : memref<16x8xf32, #tpu.memory_space<vmem>>[vector<16xi32>, vector<16xi32>], vector<16xf32>,
        %broadcast_in_dim3A_216 = arith.constant 6 : i32
        %broadcast_in_dim3A_217 = vector.broadcast %broadcast_in_dim3A_216 : i32 to vector<16xi32>
        tpu.vector_store_idx %arg19[%add3A_143, %broadcast_in_dim3A_217], %gather3A_215 : memref<128x64xf32, #tpu.memory_space<vmem>>[vector<16xi32>, vector<16xi32>], vector<16xf32>,
        %gather3A_218 = tpu.vector_load_idx %arg15[%broadcast_in_dim3A_214, %get3A_146] : memref<16x1000xf32, #tpu.memory_space<vmem>>[vector<16xi32>, vector<16xi32>], vector<16xf32>,
        %broadcast_in_dim3A_219 = arith.constant 22 : i32
        %broadcast_in_dim3A_220 = vector.broadcast %broadcast_in_dim3A_219 : i32 to vector<16xi32>
        tpu.vector_store_idx %arg19[%add3A_143, %broadcast_in_dim3A_220], %gather3A_218 : memref<128x64xf32, #tpu.memory_space<vmem>>[vector<16xi32>, vector<16xi32>], vector<16xf32>,
        %gather3A_221 = tpu.vector_load_idx %arg15[%broadcast_in_dim3A_214, %get3A_148] : memref<16x1000xf32, #tpu.memory_space<vmem>>[vector<16xi32>, vector<16xi32>], vector<16xf32>,
        %broadcast_in_dim3A_222 = arith.constant 38 : i32
        %broadcast_in_dim3A_223 = vector.broadcast %broadcast_in_dim3A_222 : i32 to vector<16xi32>
        tpu.vector_store_idx %arg19[%add3A_143, %broadcast_in_dim3A_223], %gather3A_221 : memref<128x64xf32, #tpu.memory_space<vmem>>[vector<16xi32>, vector<16xi32>], vector<16xf32>,
        %broadcast_in_dim3A_224 = arith.constant 7 : i32
        %broadcast_in_dim3A_225 = vector.broadcast %broadcast_in_dim3A_224 : i32 to vector<16xi32>
        %gather3A_226 = tpu.vector_load_idx %arg14[%broadcast_in_dim3A_225, %get3A_144] : memref<16x8xf32, #tpu.memory_space<vmem>>[vector<16xi32>, vector<16xi32>], vector<16xf32>,
        %broadcast_in_dim3A_227 = arith.constant 7 : i32
        %broadcast_in_dim3A_228 = vector.broadcast %broadcast_in_dim3A_227 : i32 to vector<16xi32>
        tpu.vector_store_idx %arg19[%add3A_143, %broadcast_in_dim3A_228], %gather3A_226 : memref<128x64xf32, #tpu.memory_space<vmem>>[vector<16xi32>, vector<16xi32>], vector<16xf32>,
        %gather3A_229 = tpu.vector_load_idx %arg15[%broadcast_in_dim3A_225, %get3A_146] : memref<16x1000xf32, #tpu.memory_space<vmem>>[vector<16xi32>, vector<16xi32>], vector<16xf32>,
        %broadcast_in_dim3A_230 = arith.constant 23 : i32
        %broadcast_in_dim3A_231 = vector.broadcast %broadcast_in_dim3A_230 : i32 to vector<16xi32>
        tpu.vector_store_idx %arg19[%add3A_143, %broadcast_in_dim3A_231], %gather3A_229 : memref<128x64xf32, #tpu.memory_space<vmem>>[vector<16xi32>, vector<16xi32>], vector<16xf32>,
        %gather3A_232 = tpu.vector_load_idx %arg15[%broadcast_in_dim3A_225, %get3A_148] : memref<16x1000xf32, #tpu.memory_space<vmem>>[vector<16xi32>, vector<16xi32>], vector<16xf32>,
        %broadcast_in_dim3A_233 = arith.constant 39 : i32
        %broadcast_in_dim3A_234 = vector.broadcast %broadcast_in_dim3A_233 : i32 to vector<16xi32>
        tpu.vector_store_idx %arg19[%add3A_143, %broadcast_in_dim3A_234], %gather3A_232 : memref<128x64xf32, #tpu.memory_space<vmem>>[vector<16xi32>, vector<16xi32>], vector<16xf32>,
        %broadcast_in_dim3A_235 = arith.constant 8 : i32
        %broadcast_in_dim3A_236 = vector.broadcast %broadcast_in_dim3A_235 : i32 to vector<16xi32>
        %gather3A_237 = tpu.vector_load_idx %arg14[%broadcast_in_dim3A_236, %get3A_144] : memref<16x8xf32, #tpu.memory_space<vmem>>[vector<16xi32>, vector<16xi32>], vector<16xf32>,
        %broadcast_in_dim3A_238 = arith.constant 8 : i32
        %broadcast_in_dim3A_239 = vector.broadcast %broadcast_in_dim3A_238 : i32 to vector<16xi32>
        tpu.vector_store_idx %arg19[%add3A_143, %broadcast_in_dim3A_239], %gather3A_237 : memref<128x64xf32, #tpu.memory_space<vmem>>[vector<16xi32>, vector<16xi32>], vector<16xf32>,
        %gather3A_240 = tpu.vector_load_idx %arg15[%broadcast_in_dim3A_236, %get3A_146] : memref<16x1000xf32, #tpu.memory_space<vmem>>[vector<16xi32>, vector<16xi32>], vector<16xf32>,
        %broadcast_in_dim3A_241 = arith.constant 24 : i32
        %broadcast_in_dim3A_242 = vector.broadcast %broadcast_in_dim3A_241 : i32 to vector<16xi32>
        tpu.vector_store_idx %arg19[%add3A_143, %broadcast_in_dim3A_242], %gather3A_240 : memref<128x64xf32, #tpu.memory_space<vmem>>[vector<16xi32>, vector<16xi32>], vector<16xf32>,
        %gather3A_243 = tpu.vector_load_idx %arg15[%broadcast_in_dim3A_236, %get3A_148] : memref<16x1000xf32, #tpu.memory_space<vmem>>[vector<16xi32>, vector<16xi32>], vector<16xf32>,
        %broadcast_in_dim3A_244 = arith.constant 40 : i32
        %broadcast_in_dim3A_245 = vector.broadcast %broadcast_in_dim3A_244 : i32 to vector<16xi32>
        tpu.vector_store_idx %arg19[%add3A_143, %broadcast_in_dim3A_245], %gather3A_243 : memref<128x64xf32, #tpu.memory_space<vmem>>[vector<16xi32>, vector<16xi32>], vector<16xf32>,
        %broadcast_in_dim3A_246 = arith.constant 9 : i32
        %broadcast_in_dim3A_247 = vector.broadcast %broadcast_in_dim3A_246 : i32 to vector<16xi32>
        %gather3A_248 = tpu.vector_load_idx %arg14[%broadcast_in_dim3A_247, %get3A_144] : memref<16x8xf32, #tpu.memory_space<vmem>>[vector<16xi32>, vector<16xi32>], vector<16xf32>,
        %broadcast_in_dim3A_249 = arith.constant 9 : i32
        %broadcast_in_dim3A_250 = vector.broadcast %broadcast_in_dim3A_249 : i32 to vector<16xi32>
        tpu.vector_store_idx %arg19[%add3A_143, %broadcast_in_dim3A_250], %gather3A_248 : memref<128x64xf32, #tpu.memory_space<vmem>>[vector<16xi32>, vector<16xi32>], vector<16xf32>,
        %gather3A_251 = tpu.vector_load_idx %arg15[%broadcast_in_dim3A_247, %get3A_146] : memref<16x1000xf32, #tpu.memory_space<vmem>>[vector<16xi32>, vector<16xi32>], vector<16xf32>,
        %broadcast_in_dim3A_252 = arith.constant 25 : i32
        %broadcast_in_dim3A_253 = vector.broadcast %broadcast_in_dim3A_252 : i32 to vector<16xi32>
        tpu.vector_store_idx %arg19[%add3A_143, %broadcast_in_dim3A_253], %gather3A_251 : memref<128x64xf32, #tpu.memory_space<vmem>>[vector<16xi32>, vector<16xi32>], vector<16xf32>,
        %gather3A_254 = tpu.vector_load_idx %arg15[%broadcast_in_dim3A_247, %get3A_148] : memref<16x1000xf32, #tpu.memory_space<vmem>>[vector<16xi32>, vector<16xi32>], vector<16xf32>,
        %broadcast_in_dim3A_255 = arith.constant 41 : i32
        %broadcast_in_dim3A_256 = vector.broadcast %broadcast_in_dim3A_255 : i32 to vector<16xi32>
        tpu.vector_store_idx %arg19[%add3A_143, %broadcast_in_dim3A_256], %gather3A_254 : memref<128x64xf32, #tpu.memory_space<vmem>>[vector<16xi32>, vector<16xi32>], vector<16xf32>,
        %broadcast_in_dim3A_257 = arith.constant 10 : i32
        %broadcast_in_dim3A_258 = vector.broadcast %broadcast_in_dim3A_257 : i32 to vector<16xi32>
        %gather3A_259 = tpu.vector_load_idx %arg14[%broadcast_in_dim3A_258, %get3A_144] : memref<16x8xf32, #tpu.memory_space<vmem>>[vector<16xi32>, vector<16xi32>], vector<16xf32>,
        %broadcast_in_dim3A_260 = arith.constant 10 : i32
        %broadcast_in_dim3A_261 = vector.broadcast %broadcast_in_dim3A_260 : i32 to vector<16xi32>
        tpu.vector_store_idx %arg19[%add3A_143, %broadcast_in_dim3A_261], %gather3A_259 : memref<128x64xf32, #tpu.memory_space<vmem>>[vector<16xi32>, vector<16xi32>], vector<16xf32>,
        %gather3A_262 = tpu.vector_load_idx %arg15[%broadcast_in_dim3A_258, %get3A_146] : memref<16x1000xf32, #tpu.memory_space<vmem>>[vector<16xi32>, vector<16xi32>], vector<16xf32>,
        %broadcast_in_dim3A_263 = arith.constant 26 : i32
        %broadcast_in_dim3A_264 = vector.broadcast %broadcast_in_dim3A_263 : i32 to vector<16xi32>
        tpu.vector_store_idx %arg19[%add3A_143, %broadcast_in_dim3A_264], %gather3A_262 : memref<128x64xf32, #tpu.memory_space<vmem>>[vector<16xi32>, vector<16xi32>], vector<16xf32>,
        %gather3A_265 = tpu.vector_load_idx %arg15[%broadcast_in_dim3A_258, %get3A_148] : memref<16x1000xf32, #tpu.memory_space<vmem>>[vector<16xi32>, vector<16xi32>], vector<16xf32>,
        %broadcast_in_dim3A_266 = arith.constant 42 : i32
        %broadcast_in_dim3A_267 = vector.broadcast %broadcast_in_dim3A_266 : i32 to vector<16xi32>
        tpu.vector_store_idx %arg19[%add3A_143, %broadcast_in_dim3A_267], %gather3A_265 : memref<128x64xf32, #tpu.memory_space<vmem>>[vector<16xi32>, vector<16xi32>], vector<16xf32>,
        %broadcast_in_dim3A_268 = arith.constant 11 : i32
        %broadcast_in_dim3A_269 = vector.broadcast %broadcast_in_dim3A_268 : i32 to vector<16xi32>
        %gather3A_270 = tpu.vector_load_idx %arg14[%broadcast_in_dim3A_269, %get3A_144] : memref<16x8xf32, #tpu.memory_space<vmem>>[vector<16xi32>, vector<16xi32>], vector<16xf32>,
        %broadcast_in_dim3A_271 = arith.constant 11 : i32
        %broadcast_in_dim3A_272 = vector.broadcast %broadcast_in_dim3A_271 : i32 to vector<16xi32>
        tpu.vector_store_idx %arg19[%add3A_143, %broadcast_in_dim3A_272], %gather3A_270 : memref<128x64xf32, #tpu.memory_space<vmem>>[vector<16xi32>, vector<16xi32>], vector<16xf32>,
        %gather3A_273 = tpu.vector_load_idx %arg15[%broadcast_in_dim3A_269, %get3A_146] : memref<16x1000xf32, #tpu.memory_space<vmem>>[vector<16xi32>, vector<16xi32>], vector<16xf32>,
        %broadcast_in_dim3A_274 = arith.constant 27 : i32
        %broadcast_in_dim3A_275 = vector.broadcast %broadcast_in_dim3A_274 : i32 to vector<16xi32>
        tpu.vector_store_idx %arg19[%add3A_143, %broadcast_in_dim3A_275], %gather3A_273 : memref<128x64xf32, #tpu.memory_space<vmem>>[vector<16xi32>, vector<16xi32>], vector<16xf32>,
        %gather3A_276 = tpu.vector_load_idx %arg15[%broadcast_in_dim3A_269, %get3A_148] : memref<16x1000xf32, #tpu.memory_space<vmem>>[vector<16xi32>, vector<16xi32>], vector<16xf32>,
        %broadcast_in_dim3A_277 = arith.constant 43 : i32
        %broadcast_in_dim3A_278 = vector.broadcast %broadcast_in_dim3A_277 : i32 to vector<16xi32>
        tpu.vector_store_idx %arg19[%add3A_143, %broadcast_in_dim3A_278], %gather3A_276 : memref<128x64xf32, #tpu.memory_space<vmem>>[vector<16xi32>, vector<16xi32>], vector<16xf32>,
        %broadcast_in_dim3A_279 = arith.constant 12 : i32
        %broadcast_in_dim3A_280 = vector.broadcast %broadcast_in_dim3A_279 : i32 to vector<16xi32>
        %gather3A_281 = tpu.vector_load_idx %arg14[%broadcast_in_dim3A_280, %get3A_144] : memref<16x8xf32, #tpu.memory_space<vmem>>[vector<16xi32>, vector<16xi32>], vector<16xf32>,
        %broadcast_in_dim3A_282 = arith.constant 12 : i32
        %broadcast_in_dim3A_283 = vector.broadcast %broadcast_in_dim3A_282 : i32 to vector<16xi32>
        tpu.vector_store_idx %arg19[%add3A_143, %broadcast_in_dim3A_283], %gather3A_281 : memref<128x64xf32, #tpu.memory_space<vmem>>[vector<16xi32>, vector<16xi32>], vector<16xf32>,
        %gather3A_284 = tpu.vector_load_idx %arg15[%broadcast_in_dim3A_280, %get3A_146] : memref<16x1000xf32, #tpu.memory_space<vmem>>[vector<16xi32>, vector<16xi32>], vector<16xf32>,
        %broadcast_in_dim3A_285 = arith.constant 28 : i32
        %broadcast_in_dim3A_286 = vector.broadcast %broadcast_in_dim3A_285 : i32 to vector<16xi32>
        tpu.vector_store_idx %arg19[%add3A_143, %broadcast_in_dim3A_286], %gather3A_284 : memref<128x64xf32, #tpu.memory_space<vmem>>[vector<16xi32>, vector<16xi32>], vector<16xf32>,
        %gather3A_287 = tpu.vector_load_idx %arg15[%broadcast_in_dim3A_280, %get3A_148] : memref<16x1000xf32, #tpu.memory_space<vmem>>[vector<16xi32>, vector<16xi32>], vector<16xf32>,
        %broadcast_in_dim3A_288 = arith.constant 44 : i32
        %broadcast_in_dim3A_289 = vector.broadcast %broadcast_in_dim3A_288 : i32 to vector<16xi32>
        tpu.vector_store_idx %arg19[%add3A_143, %broadcast_in_dim3A_289], %gather3A_287 : memref<128x64xf32, #tpu.memory_space<vmem>>[vector<16xi32>, vector<16xi32>], vector<16xf32>,
        %broadcast_in_dim3A_290 = arith.constant 13 : i32
        %broadcast_in_dim3A_291 = vector.broadcast %broadcast_in_dim3A_290 : i32 to vector<16xi32>
        %gather3A_292 = tpu.vector_load_idx %arg14[%broadcast_in_dim3A_291, %get3A_144] : memref<16x8xf32, #tpu.memory_space<vmem>>[vector<16xi32>, vector<16xi32>], vector<16xf32>,
        %broadcast_in_dim3A_293 = arith.constant 13 : i32
        %broadcast_in_dim3A_294 = vector.broadcast %broadcast_in_dim3A_293 : i32 to vector<16xi32>
        tpu.vector_store_idx %arg19[%add3A_143, %broadcast_in_dim3A_294], %gather3A_292 : memref<128x64xf32, #tpu.memory_space<vmem>>[vector<16xi32>, vector<16xi32>], vector<16xf32>,
        %gather3A_295 = tpu.vector_load_idx %arg15[%broadcast_in_dim3A_291, %get3A_146] : memref<16x1000xf32, #tpu.memory_space<vmem>>[vector<16xi32>, vector<16xi32>], vector<16xf32>,
        %broadcast_in_dim3A_296 = arith.constant 29 : i32
        %broadcast_in_dim3A_297 = vector.broadcast %broadcast_in_dim3A_296 : i32 to vector<16xi32>
        tpu.vector_store_idx %arg19[%add3A_143, %broadcast_in_dim3A_297], %gather3A_295 : memref<128x64xf32, #tpu.memory_space<vmem>>[vector<16xi32>, vector<16xi32>], vector<16xf32>,
        %gather3A_298 = tpu.vector_load_idx %arg15[%broadcast_in_dim3A_291, %get3A_148] : memref<16x1000xf32, #tpu.memory_space<vmem>>[vector<16xi32>, vector<16xi32>], vector<16xf32>,
        %broadcast_in_dim3A_299 = arith.constant 45 : i32
        %broadcast_in_dim3A_300 = vector.broadcast %broadcast_in_dim3A_299 : i32 to vector<16xi32>
        tpu.vector_store_idx %arg19[%add3A_143, %broadcast_in_dim3A_300], %gather3A_298 : memref<128x64xf32, #tpu.memory_space<vmem>>[vector<16xi32>, vector<16xi32>], vector<16xf32>,
        %broadcast_in_dim3A_301 = arith.constant 14 : i32
        %broadcast_in_dim3A_302 = vector.broadcast %broadcast_in_dim3A_301 : i32 to vector<16xi32>
        %gather3A_303 = tpu.vector_load_idx %arg14[%broadcast_in_dim3A_302, %get3A_144] : memref<16x8xf32, #tpu.memory_space<vmem>>[vector<16xi32>, vector<16xi32>], vector<16xf32>,
        %broadcast_in_dim3A_304 = arith.constant 14 : i32
        %broadcast_in_dim3A_305 = vector.broadcast %broadcast_in_dim3A_304 : i32 to vector<16xi32>
        tpu.vector_store_idx %arg19[%add3A_143, %broadcast_in_dim3A_305], %gather3A_303 : memref<128x64xf32, #tpu.memory_space<vmem>>[vector<16xi32>, vector<16xi32>], vector<16xf32>,
        %gather3A_306 = tpu.vector_load_idx %arg15[%broadcast_in_dim3A_302, %get3A_146] : memref<16x1000xf32, #tpu.memory_space<vmem>>[vector<16xi32>, vector<16xi32>], vector<16xf32>,
        %broadcast_in_dim3A_307 = arith.constant 30 : i32
        %broadcast_in_dim3A_308 = vector.broadcast %broadcast_in_dim3A_307 : i32 to vector<16xi32>
        tpu.vector_store_idx %arg19[%add3A_143, %broadcast_in_dim3A_308], %gather3A_306 : memref<128x64xf32, #tpu.memory_space<vmem>>[vector<16xi32>, vector<16xi32>], vector<16xf32>,
        %gather3A_309 = tpu.vector_load_idx %arg15[%broadcast_in_dim3A_302, %get3A_148] : memref<16x1000xf32, #tpu.memory_space<vmem>>[vector<16xi32>, vector<16xi32>], vector<16xf32>,
        %broadcast_in_dim3A_310 = arith.constant 46 : i32
        %broadcast_in_dim3A_311 = vector.broadcast %broadcast_in_dim3A_310 : i32 to vector<16xi32>
        tpu.vector_store_idx %arg19[%add3A_143, %broadcast_in_dim3A_311], %gather3A_309 : memref<128x64xf32, #tpu.memory_space<vmem>>[vector<16xi32>, vector<16xi32>], vector<16xf32>,
        %broadcast_in_dim3A_312 = arith.constant 15 : i32
        %broadcast_in_dim3A_313 = vector.broadcast %broadcast_in_dim3A_312 : i32 to vector<16xi32>
        %gather3A_314 = tpu.vector_load_idx %arg14[%broadcast_in_dim3A_313, %get3A_144] : memref<16x8xf32, #tpu.memory_space<vmem>>[vector<16xi32>, vector<16xi32>], vector<16xf32>,
        %broadcast_in_dim3A_315 = arith.constant 15 : i32
        %broadcast_in_dim3A_316 = vector.broadcast %broadcast_in_dim3A_315 : i32 to vector<16xi32>
        tpu.vector_store_idx %arg19[%add3A_143, %broadcast_in_dim3A_316], %gather3A_314 : memref<128x64xf32, #tpu.memory_space<vmem>>[vector<16xi32>, vector<16xi32>], vector<16xf32>,
        %gather3A_317 = tpu.vector_load_idx %arg15[%broadcast_in_dim3A_313, %get3A_146] : memref<16x1000xf32, #tpu.memory_space<vmem>>[vector<16xi32>, vector<16xi32>], vector<16xf32>,
        %broadcast_in_dim3A_318 = arith.constant 31 : i32
        %broadcast_in_dim3A_319 = vector.broadcast %broadcast_in_dim3A_318 : i32 to vector<16xi32>
        tpu.vector_store_idx %arg19[%add3A_143, %broadcast_in_dim3A_319], %gather3A_317 : memref<128x64xf32, #tpu.memory_space<vmem>>[vector<16xi32>, vector<16xi32>], vector<16xf32>,
        %gather3A_320 = tpu.vector_load_idx %arg15[%broadcast_in_dim3A_313, %get3A_148] : memref<16x1000xf32, #tpu.memory_space<vmem>>[vector<16xi32>, vector<16xi32>], vector<16xf32>,
        %broadcast_in_dim3A_321 = arith.constant 47 : i32
        %broadcast_in_dim3A_322 = vector.broadcast %broadcast_in_dim3A_321 : i32 to vector<16xi32>
        tpu.vector_store_idx %arg19[%add3A_143, %broadcast_in_dim3A_322], %gather3A_320 : memref<128x64xf32, #tpu.memory_space<vmem>>[vector<16xi32>, vector<16xi32>], vector<16xf32>,
      }
      %scan3A_96 = arith.constant 8 : i32
      %mul3A_97 = arith.constant 128 : i32
      %mul3A_98 = arith.muli %mul3A_57, %mul3A_97 : i32
      %add3A_99 = arith.addi %mul3A_2, %mul3A_98 : i32
      %dma_wait3A_100 = arith.constant 0 : i32
      %dma_wait3A_101 = tpu.memref_slice %arg9[%add3A_99, %dma_wait3A_100] : memref<204800x128xf32, #tpu.memory_space<hbm>> -> memref<128x64xf32, #tpu.memory_space<hbm>>
      %dma_wait3A_102 = arith.constant 0 : i32
      %dma_wait3A_103 = tpu.memref_slice %arg9[%add3A_99, %dma_wait3A_102] : memref<204800x128xf32, #tpu.memory_space<hbm>> -> memref<128x64xf32, #tpu.memory_space<hbm>>
      tpu.wait_dma2 semaphore(%arg23 : memref<!tpu.dma_semaphore, #tpu.memory_space<semaphore_mem>>) src(%arg16 : memref<128x64xf32, #tpu.memory_space<vmem>>) dst(%dma_wait3A_103 : memref<128x64xf32, #tpu.memory_space<hbm>>)
      %dma_wait3A_104 = arith.constant 64 : i32
      %dma_wait3A_105 = tpu.memref_slice %arg9[%add3A_99, %dma_wait3A_104] : memref<204800x128xf32, #tpu.memory_space<hbm>> -> memref<128x64xf32, #tpu.memory_space<hbm>>
      %dma_wait3A_106 = arith.constant 64 : i32
      %dma_wait3A_107 = tpu.memref_slice %arg9[%add3A_99, %dma_wait3A_106] : memref<204800x128xf32, #tpu.memory_space<hbm>> -> memref<128x64xf32, #tpu.memory_space<hbm>>
      tpu.wait_dma2 semaphore(%arg23 : memref<!tpu.dma_semaphore, #tpu.memory_space<semaphore_mem>>) src(%arg18 : memref<128x64xf32, #tpu.memory_space<vmem>>) dst(%dma_wait3A_107 : memref<128x64xf32, #tpu.memory_space<hbm>>)
      %add3A_108 = arith.constant 1 : i32
      %add3A_109 = arith.addi %add3A_59, %add3A_108 : i32
      %min3A = arith.constant 49 : i32
      %min3A_110 = arith.minsi %add3A_109, %min3A : i32
      %dma_start3A_111 = arith.constant 0 : i32
      %dma_start3A_112 = tpu.memref_slice %arg10[%min3A_110, %dma_start3A_111] : memref<50x128xi32, #tpu.memory_space<vmem>> -> memref<1x128xi32, #tpu.memory_space<vmem>>
      %dma_start3A_113 = tpu.memref_squeeze %dma_start3A_112 : memref<1x128xi32, #tpu.memory_space<vmem>> -> memref<128xi32, #tpu.memory_space<vmem>>
      %dma_start3A_114 = arith.constant 0 : i32
      %dma_start3A_115 = arith.constant 0 : i32
      %dma_start3A_116 = tpu.memref_slice %arg6[%dma_start3A_114, %dma_start3A_115] : memref<1000000x64xf32, #tpu.memory_space<hbm>> -> memref<1000000x64xf32, #tpu.memory_space<hbm>>
      tpu.enqueue_indirect_dma source(%dma_start3A_116 : memref<1000000x64xf32, #tpu.memory_space<hbm>>) target(%arg16 : memref<128x64xf32, #tpu.memory_space<vmem>>) offsets(%dma_start3A_113 : memref<128xi32, #tpu.memory_space<vmem>>) semaphore(%arg21 : memref<!tpu.dma_semaphore, #tpu.memory_space<semaphore_mem>>)
      %dma_wait3A_117 = arith.constant 0 : i32
      %dma_wait3A_118 = tpu.memref_slice %arg10[%add3A_59, %dma_wait3A_117] : memref<50x128xi32, #tpu.memory_space<vmem>> -> memref<1x128xi32, #tpu.memory_space<vmem>>
      %dma_wait3A_119 = tpu.memref_squeeze %dma_wait3A_118 : memref<1x128xi32, #tpu.memory_space<vmem>> -> memref<128xi32, #tpu.memory_space<vmem>>
      %dma_wait3A_120 = arith.constant 0 : i32
      %dma_wait3A_121 = arith.constant 0 : i32
      %dma_wait3A_122 = tpu.memref_slice %arg6[%dma_wait3A_120, %dma_wait3A_121] : memref<1000000x64xf32, #tpu.memory_space<hbm>> -> memref<1000000x64xf32, #tpu.memory_space<hbm>>
      tpu.wait_indirect_dma semaphore(%arg22 : memref<!tpu.dma_semaphore, #tpu.memory_space<semaphore_mem>>) src(%dma_wait3A_122 : memref<1000000x64xf32, #tpu.memory_space<hbm>>) dst(%arg17 : memref<128x64xf32, #tpu.memory_space<vmem>>)
      %mul3A_123 = arith.constant 128 : i32
      %mul3A_124 = arith.muli %add3A_59, %mul3A_123 : i32
      %add3A_125 = arith.addi %mul3A_2, %mul3A_124 : i32
      %dma_start3A_126 = arith.constant 0 : i32
      %dma_start3A_127 = tpu.memref_slice %arg9[%add3A_125, %dma_start3A_126] : memref<204800x128xf32, #tpu.memory_space<hbm>> -> memref<128x64xf32, #tpu.memory_space<hbm>>
      %dma_start3A_128 = arith.constant 0 : i32
      %dma_start3A_129 = tpu.memref_slice %arg9[%add3A_125, %dma_start3A_128] : memref<204800x128xf32, #tpu.memory_space<hbm>> -> memref<128x64xf32, #tpu.memory_space<hbm>>
      tpu.enqueue_dma source(%arg17 : memref<128x64xf32, #tpu.memory_space<vmem>>) target(%dma_start3A_129 : memref<128x64xf32, #tpu.memory_space<hbm>>) target_semaphore(%arg24 : memref<!tpu.dma_semaphore, #tpu.memory_space<semaphore_mem>>)
      %dma_start3A_130 = arith.constant 64 : i32
      %dma_start3A_131 = tpu.memref_slice %arg9[%add3A_125, %dma_start3A_130] : memref<204800x128xf32, #tpu.memory_space<hbm>> -> memref<128x64xf32, #tpu.memory_space<hbm>>
      %dma_start3A_132 = arith.constant 64 : i32
      %dma_start3A_133 = tpu.memref_slice %arg9[%add3A_125, %dma_start3A_132] : memref<204800x128xf32, #tpu.memory_space<hbm>> -> memref<128x64xf32, #tpu.memory_space<hbm>>
      tpu.enqueue_dma source(%arg19 : memref<128x64xf32, #tpu.memory_space<vmem>>) target(%dma_start3A_133 : memref<128x64xf32, #tpu.memory_space<hbm>>) target_semaphore(%arg24 : memref<!tpu.dma_semaphore, #tpu.memory_space<semaphore_mem>>)
    }
    %scan3A_37 = arith.constant 25 : i32
    %dma_wait3A_38 = arith.constant 49 : i32
    %dma_wait3A_39 = arith.constant 0 : i32
    %dma_wait3A_40 = tpu.memref_slice %arg10[%dma_wait3A_38, %dma_wait3A_39] : memref<50x128xi32, #tpu.memory_space<vmem>> -> memref<1x128xi32, #tpu.memory_space<vmem>>
    %dma_wait3A_41 = tpu.memref_squeeze %dma_wait3A_40 : memref<1x128xi32, #tpu.memory_space<vmem>> -> memref<128xi32, #tpu.memory_space<vmem>>
    %dma_wait3A_42 = arith.constant 0 : i32
    %dma_wait3A_43 = arith.constant 0 : i32
    %dma_wait3A_44 = tpu.memref_slice %arg6[%dma_wait3A_42, %dma_wait3A_43] : memref<1000000x64xf32, #tpu.memory_space<hbm>> -> memref<1000000x64xf32, #tpu.memory_space<hbm>>
    tpu.wait_indirect_dma semaphore(%arg21 : memref<!tpu.dma_semaphore, #tpu.memory_space<semaphore_mem>>) src(%dma_wait3A_44 : memref<1000000x64xf32, #tpu.memory_space<hbm>>) dst(%arg16 : memref<128x64xf32, #tpu.memory_space<vmem>>)
    %add3A_45 = arith.constant 6272 : i32
    %add3A_46 = arith.addi %mul3A_2, %add3A_45 : i32
    %dma_wait3A_47 = arith.constant 0 : i32
    %dma_wait3A_48 = tpu.memref_slice %arg9[%add3A_46, %dma_wait3A_47] : memref<204800x128xf32, #tpu.memory_space<hbm>> -> memref<128x64xf32, #tpu.memory_space<hbm>>
    %dma_wait3A_49 = arith.constant 0 : i32
    %dma_wait3A_50 = tpu.memref_slice %arg9[%add3A_46, %dma_wait3A_49] : memref<204800x128xf32, #tpu.memory_space<hbm>> -> memref<128x64xf32, #tpu.memory_space<hbm>>
    tpu.wait_dma2 semaphore(%arg24 : memref<!tpu.dma_semaphore, #tpu.memory_space<semaphore_mem>>) src(%arg17 : memref<128x64xf32, #tpu.memory_space<vmem>>) dst(%dma_wait3A_50 : memref<128x64xf32, #tpu.memory_space<hbm>>)
    %dma_wait3A_51 = arith.constant 64 : i32
    %dma_wait3A_52 = tpu.memref_slice %arg9[%add3A_46, %dma_wait3A_51] : memref<204800x128xf32, #tpu.memory_space<hbm>> -> memref<128x64xf32, #tpu.memory_space<hbm>>
    %dma_wait3A_53 = arith.constant 64 : i32
    %dma_wait3A_54 = tpu.memref_slice %arg9[%add3A_46, %dma_wait3A_53] : memref<204800x128xf32, #tpu.memory_space<hbm>> -> memref<128x64xf32, #tpu.memory_space<hbm>>
    tpu.wait_dma2 semaphore(%arg24 : memref<!tpu.dma_semaphore, #tpu.memory_space<semaphore_mem>>) src(%arg19 : memref<128x64xf32, #tpu.memory_space<vmem>>) dst(%dma_wait3A_54 : memref<128x64xf32, #tpu.memory_space<hbm>>)
    return
  }
}

</mosaic_0001>

<sc_bundles>
// kernel: kernel.3.cloned.1.call-start
scs
__scs_entry_jumppad:
0x0: {  	(pc) =	sbr.rel $0x88, $3  }
0x1: {  	(tag) =	ssettag $0x0;
	lr =	simm.s32 $0x1  }
0x2: {  	[smem:$0x3F9A] =	sst lr;
	_ =	strace $0xD0000000  }
0x3: {  	_ = 	snop  }
0x4: {  	_ = 	snop  }
0x5: {  	_ = 	snop  }
0x6: {  	_ = 	snop  }
0x7: {  	_ = 	snop  }
__scs_overlays_trampoline_lowered:
0x8: {  	[smem:$0x3FA9] =	sst s0  }
0x9: {  	[smem:$0x3FAA] =	sst s1  }
0xa: {  	[smem:$0x3FAB] =	sst s2  }
0xb: {  	[smem:$0x3FAC] =	sst s3  }
0xc: {  	[smem:$0x3FAD] =	sst s4  }
0xd: {  	[smem:$0x3FAE] =	sst s5  }
0xe: {  	[smem:$0x3FAF] =	sst s6  }
0xf: {  	[smem:$0x3FB0] =	sst s7  }
0x10: {  	[smem:$0x3FB1] =	sst s8  }
0x11: {  	[smem:$0x3FB2] =	sst s9;
	s0 =	simm.s32 @!p0 $0x0  }
0x12: {  	s1 =	sld [smem:$0x3F98];
	s0 =	simm.s32 @p0 $0x1  }
0x13: {  	[smem:$0x3FB3] =	sst s0;
	s0 =	simm.s32 @!p1 $0x0  }
0x14: {  	s2 =	sld [smem:$0x3F97];
	s0 =	simm.s32 @p1 $0x1  }
0x15: {  	[smem:$0x3FB4] =	sst s0;
	s0 =	simm.s32 @!p2 $0x0  }
0x16: {  	s3 =	sld [smem:$0x3FDB];
	s0 =	simm.s32 @p2 $0x1  }
0x17: {  	s4 =	simm.s32 $0x1BF5;
	[smem:$0x3FB6] =	sst s0  }
0x18: {  	s0 =	sld [smem:$0x3F99];
	_ =	swait.ge [sflag:s4], $0x0  }
0x19: {  	s7 =	sld [smem:$0x3F9A]  }
0x1a: {  	s8 =	sadd.s32 $0xFFFFE003, lr  }
0x1b: {  	s9 =	sadd.s32 $0xFFFFFEF7, lr;
	s5 =	simm.s32 $0xFFFFFFFF;
	p2 =	slt.u32 s8, $0xFFFFF086  }
0x1c: {  	p1 =	slt.u32 s9, $0xF7A;
	s5 =	simm.s32 @!p2 $0x0  }
0x1d: {  	s5 =	simm.s32 @p1 $0x1;
	p0 =	seq.s32 s7, s2  }
0x1e: {  	s7 =	smul.u32 @!p0 $0xF7A, s2;
	p2 =	seq.s32 @!p0 s5, $0x0  }
0x1f: {  	s9 =	smul.u32 $0xF7A, s1;
	s8 =	simm.s32 @!p0 $0x1BF5;
	p2 =	por !p2, p0  }
0x20: {  	[sflag:s8] =	ssyncset.s32 @!p0 $0xFFFFF086;
	s6 =	sadd.s32 @!p0 s3, s7;
	s7 =	simm.s32 @!p0 $0x108  }
0x21: {  	s3 =	sadd.s32 s3, s9;
	s6 =	sadd.s32 @!p0 $0x88, s6;
	s7 =	simm.s32 @p2 $0x1082  }
0x22: {  	[simem:s7], [sflag:s8] =	dma.local @!p0 [hbm:s6], $0xF7A  }
0x23: {  	s9 =	sor.u32 $0xD0000000, s2;
	s6 =	simm.s32 $0x108;
	_ =	swait.ge @!p0 [sflag:s8], $0x0  }
0x24: {  	s3 =	sadd.s32 $0x88, s3;
	s6 =	simm.s32 @!p1 $0x1082;
	[sflag:s4] =	ssyncset.s32 $0xFFFFF086  }
0x25: {  	[simem:s6], [sflag:s4] =	dma.local [hbm:s3], $0xF7A  }
0x26: {  	[smem:$0x3F9A] =	sst s1;
	(tag) =	ssettag s2;
	_ =	strace s9  }
0x27: {  	s1 =	sld [smem:$0x3FAA]  }
0x28: {  	s2 =	sld [smem:$0x3FAB]  }
0x29: {  	s4 =	sld [smem:$0x3FAD]  }
0x2a: {  	p0 =	seq.s32 s5, $0x0;
	s5 =	sld [smem:$0x3FAE]  }
0x2b: {  	s6 =	sld [smem:$0x3FAF]  }
0x2c: {  	s7 =	sld [smem:$0x3FB0]  }
0x2d: {  	s3 =	simm.s32 $0x108;
	s8 =	sld [smem:$0x3FB1]  }
0x2e: {  	s3 =	simm.s32 @!p0 $0x1082;
	s9 =	sld [smem:$0x3FB2]  }
0x2f: {  	lr =	sadd.s32 s0, s3;
	s0 =	sld [smem:$0x3FA9]  }
0x30: {  	s3 =	sld [smem:$0x3FAC]  }
0x31: {  	[smem:$0x3FB5] =	sst s10  }
0x32: {  	s10 =	sld [smem:$0x3FB3];
	_ =	sdelay $0x3  }
0x33: {  	p0 =	seq.s32 s10, $0x1;
	s10 =	sld [smem:$0x3FB5];
	_ =	sdelay $0x3  }
0x34: {  	[smem:$0x3FB5] =	sst s10  }
0x35: {  	s10 =	sld [smem:$0x3FB4];
	_ =	sdelay $0x3  }
0x36: {  	p1 =	seq.s32 s10, $0x1;
	s10 =	sld [smem:$0x3FB5];
	_ =	sdelay $0x3  }
0x37: {  	[smem:$0x3FB5] =	sst s10  }
0x38: {  	s10 =	sld [smem:$0x3FB6]  }
0x39: {  	_ = 	snop;
	(pc) =	sbr.ind lr, $3  }
0x3a: {  	_ = 	snop  }
0x3b: {  	_ = 	snop  }
0x3c: {  	p2 =	seq.s32 s10, $0x1;
	s10 =	sld [smem:$0x3FB5]  }
0x3d: {  	_ =	shalt  }
0x3e: {  	_ =	shalt  }
0x3f: {  	_ =	shalt  }
0x40: {  	_ =	shalt  }
0x41: {  	_ =	shalt  }
0x42: {  	_ =	shalt  }
0x43: {  	_ =	shalt  }
0x44: {  	_ =	shalt  }
0x45: {  	_ =	shalt  }
0x46: {  	_ =	shalt  }
0x47: {  	_ =	shalt  }
0x48: {  	_ =	shalt  }
0x49: {  	_ =	shalt  }
0x4a: {  	_ =	shalt  }
0x4b: {  	_ =	shalt  }
0x4c: {  	_ =	shalt  }
0x4d: {  	_ =	shalt  }
0x4e: {  	_ =	shalt  }
0x4f: {  	_ =	shalt  }
0x50: {  	_ =	shalt  }
0x51: {  	_ =	shalt  }
0x52: {  	_ =	shalt  }
0x53: {  	_ =	shalt  }
0x54: {  	_ =	shalt  }
0x55: {  	_ =	shalt  }
0x56: {  	_ =	shalt  }
0x57: {  	_ =	shalt  }
0x58: {  	_ =	shalt  }
0x59: {  	_ =	shalt  }
0x5a: {  	_ =	shalt  }
0x5b: {  	_ =	shalt  }
0x5c: {  	_ =	shalt  }
0x5d: {  	_ =	shalt  }
0x5e: {  	_ =	shalt  }
0x5f: {  	_ =	shalt  }
0x60: {  	_ =	shalt  }
0x61: {  	_ =	shalt  }
0x62: {  	_ =	shalt  }
0x63: {  	_ =	shalt  }
0x64: {  	_ =	shalt  }
0x65: {  	_ =	shalt  }
0x66: {  	_ =	shalt  }
0x67: {  	_ =	shalt  }
0x68: {  	_ =	shalt  }
0x69: {  	_ =	shalt  }
0x6a: {  	_ =	shalt  }
0x6b: {  	_ =	shalt  }
0x6c: {  	_ =	shalt  }
0x6d: {  	_ =	shalt  }
0x6e: {  	_ =	shalt  }
0x6f: {  	_ =	shalt  }
0x70: {  	_ =	shalt  }
0x71: {  	_ =	shalt  }
0x72: {  	_ =	shalt  }
0x73: {  	_ =	shalt  }
0x74: {  	_ =	shalt  }
0x75: {  	_ =	shalt  }
0x76: {  	_ =	shalt  }
0x77: {  	_ =	shalt  }
0x78: {  	_ =	shalt  }
0x79: {  	_ =	shalt  }
0x7a: {  	_ =	shalt  }
0x7b: {  	_ =	shalt  }
0x7c: {  	_ =	shalt  }
0x7d: {  	_ =	shalt  }
0x7e: {  	_ =	shalt  }
0x7f: {  	_ =	shalt  }
0x80: {  	_ =	shalt  }
0x81: {  	_ =	shalt  }
0x82: {  	_ =	shalt  }
0x83: {  	_ =	shalt  }
0x84: {  	_ =	shalt  }
0x85: {  	_ =	shalt  }
0x86: {  	_ =	shalt  }
0x87: {  	_ =	shalt  }
.Lfunc_end0:
.L_simem_size_0:
called_computation.1_lowered:
.L_overlay_start_0:
0x88: {  	s2 =	sld [smem:$0x3FD9]  }
0x89: {  	s3 =	sld [smem:$0x3FFE];
	_ =	sdelay $0x1  }
0x8a: {  	s1 =	srdreg.scid  }
0x8b: {  	s0 =	sand.u32 $0x1, s1  }
0x8c: {  	s17 =	sshll.u32 s0, $0xA;
	s2 =	sadd.s32 s3, s2  }
0x8d: {  	s2 =	sadd.s32 s2, s17  }
0x8e: {  	[smem:$0x3FC1] =	sst s2  }
0x8f: {  	_ = 	snop  }
0x90: {  	s2 =	sld [smem:$0x3FD0];
	(tm) =	ssettm $0x1  }
0x91: {  	s18 =	sld [smem:$0x3FFB];
	_ =	sdelay $0x3  }
0x92: {  	_ =	strace s18  }
0x93: {  	s3 =	sld [smem:$0x3FFC];
	_ =	sdelay $0x3  }
0x94: {  	_ =	strace s3  }
0x95: {  	s3 =	sld [smem:$0x3FFD];
	_ =	sdelay $0x3  }
0x96: {  	_ =	strace s3  }
0x97: {  	_ =	strace $0x8FFFFFFF  }
0x98: {  	s19 =	sld [smem:$0x3FDB];
	_ =	sdelay $0x1  }
0x99: {  	s4 =	simm.s32 $_scs_section_size  }
0x9a: {  	s5 =	simm.s32 $_size__tile_overlayer_lowered;
	s6 =	simm.s32 $_tile_overlayer_lowered  }
0x9b: {  	s22 =	simm.s32 $0x1BFF;
	s21 =	sshll.u32 s6, $0x1;
	s3 =	sadd.s32 s4, s19  }
0x9c: {  	s7 =	simm.s32 $0x0;
	s20 =	sshll.u32 s5, $0x1;
	s5 =	sadd.s32 s21, s3  }
0x9d: {  	[timem:s7], [sflag:s22] =	dma.local [hbm:s5], s20  }
0x9e: {  	_ =	swait.ge [sflag:s22], s20  }
0x9f: {  	s4 =	ssub.s32 $0x0, s20;
	[sflag:s22] =	ssyncset.done $0x0  }
0xa0: {  	[sflag:s22] =	ssyncadd.s32 s4;
	_ =	sdelay $0x1  }
0xa1: {  	s23 =	simm.s32 $0x1B8B  }
0xa2: {  	_ =	swait.ge [sflag:s23], $0x1  }
0xa3: {  	[sflag:s23] =	ssyncset.done $0x0  }
0xa4: {  	s25 =	simm.s32 $0x1B8E;
	s24 =	sld [smem:$0x3FFE];
	[sflag:s23] =	ssyncadd.s32 $0xFFFFFFFF  }
0xa5: {  	s26 =	simm.s32 $execute0_lowered;
	[smem:$0x3FD2] =	sst s25  }
0xa6: {  	s5 =	sshll.u32 s26, $0x1;
	_ =	strace $0x80000046;
	[dreg:$0x1] =	wrdreg $0xFFFFFFFF  }
0xa7: {  	s28 =	simm.s32 $_size_execute0_lowered;
	s3 =	sadd.s32 s3, s5;
	[dreg:$0x0] =	wrdreg $0x0  }
0xa8: {  	s5 =	sshll.u32 s28, $0x1;
	[dreg:$0x2] =	wrdreg s3  }
0xa9: {  	[dreg:$0x3] =	wrdreg s5  }
0xaa: {  	[dreg:$0x4] =	wrdreg $0xC0  }
0xab: {  	_ =	task [dreg:s7], $0x5FFFF  }
0xac: {  	[dreg:$0x1] =	wrdreg $0xFFFFFFFF  }
0xad: {  	[dreg:$0x0] =	wrdreg $0x60  }
0xae: {  	[dreg:$0x2] =	wrdreg s2  }
0xaf: {  	[dreg:$0x3] =	wrdreg s24  }
0xb0: {  	[dreg:$0x4] =	wrdreg $0x9  }
0xb1: {  	_ =	task.clear_ibuf [dreg:s7], $0x5FFFF;
	_ =	strace $0x90000046  }
0xb2: {  	s29 =	simm.s32 $0x9;
	_ =	strace $0x80000048  }
0xb3: {  	_ =	swait.ge [sflag:s29], $0x1  }
0xb4: {  	[sflag:s29] =	ssyncadd.s32 $0xFFFFFFFF  }
0xb5: {  	_ =	strace $0x90000048  }
0xb6: {  	_ =	sfence  }
0xb7: {  	s30 =	sld [smem:$0x0];
	_ =	sdelay $0x2  }
0xb8: {  	s31 =	sshll.u32 s1, $0xD;
	s1 =	sshrl.u32 s1, $0x2  }
0xb9: {  	s3 =	sand.u32 $0x4000, s31;
	s1 =	sadd.s32 s1, s30  }
0xba: {  	s0 =	sor.u32 s3, s0;
	s1 =	sshll.u32 s1, $0x11  }
0xbb: {  	s0 =	sor.u32 s1, s0  }
0xbc: {  	s0 =	sadd.s32 $0x8F2B, s0  }
0xbd: {  	[sflag:s0] =	ssyncadd.remote.s32 $0x1  }
0xbe: {  	_ =	sfence.sel $0xFFFF  }
0xbf: {  	[dreg:$0x0] =	wrdreg $0xFFFFFFFF;
	(pc) =	sbr.abs _section_cstart, $3  }
0xc0: {  	[dreg:$0x1] =	wrdreg $0xFFFFFFFF  }
0xc1: {  	_ =	task.clear_ibuf [dreg:s7], $0x2FFFF;
	_ =	strace $0x9FFFFFFF  }
0xc2: {  	(tm) =	ssettm $0x7FFFFFFF  }
0xc3: {  	_ =	shalt  }
tec
execute0_lowered:
.L_overlay_start_1:
0x0: {  	(tag) =	ssettag $0x1  }
0x1: {  	s0 =	srdreg.scid  }
0x2: {  	s2 =	stileid.u32;
	s1 =	rddreg [dreg:$0x0]  }
0x3: {  	s5 =	rddreg [dreg:$0x1];
	s4 =	simm.s32 $0x0;
	s15 =	simm.s32 $0x6400  }
0x4: {  	s16 =	simm.s32 $0x6480;
	s17 =	simm.s32 $0x1;
	s18 =	simm.s32 $0x80  }
0x5: {  	s19 =	simm.s32 $0xA300;
	s20 =	simm.s32 $0xE300;
	s21 =	simm.s32 $0xC300  }
0x6: {  	s22 =	simm.s32 $0x2;
	s23 =	simm.s32 $0x40;
	s24 =	simm.s32 $0x10300  }
0x7: {  	s29 =	simm.s32 $0x0;
	s0 =	sand.u32 $0x1, s0;
	s2 =	sshll.u32 s2, $0x1  }
0x8: {  	[smem:$0x7FF] =	sst s4;
	s7 =	sadd.s32 $0x14800, s5;
	s2 =	sor.u32 s0, s2  }
0x9: {  	s26 =	sadd.s32 $0x14000, s5;
	_ =	strace $0x80000047;
	s3 =	smul.u32 $0x1900, s2  }
0xa: {  	s0 =	ssub.s32 $0x2, s0;
	[dreg:$0x3] =	wrdreg s7;
	s9 =	smul.u32 $0x320, s2  }
0xb: {  	s4 =	sadd.s32 $0xF43800, s5;
	[dreg:$0x4] =	wrdreg s26;
	s8 =	sshrl.u32 s0, $0x1  }
0xc: {  	s0 =	ssub.s32 s0, s8;
	s25 =	sshrl.u32 s3, $0x3;
	s1 =	sadd.s32 s1, s9  }
0xd: {  	s0 =	smax.u32 s0, $0x1;
	s6 =	sadd.s32 s25, s5;
	[dreg:$0x5] =	wrdreg s1  }
0xe: {  	s13 =	sadd.s32 $0x14A08, s5;
	[dreg:$0x9] =	wrdreg s0;
	s28 =	sadd.s32 $0xDC00, s6  }
0xf: {  	s7 =	sadd.s32 $0x14A00, s5;
	s30 =	sadd.s32 $0x7800, s6;
	[dreg:$0x6] =	wrdreg s28  }
0x10: {  	v0 =	vlaneseq.u32;
	s26 =	simm.s32 $0x3;
	s31 =	sadd.s32 $0x1400, s6;
	[dreg:$0x7] =	wrdreg s30  }
0x11: {  	v0 =	vmul.u32 $0x40, v0;
	s12 =	smul.u32 $0xC8000, s2;
	s25 =	simm.s32 $0x4;
	[dreg:$0x8] =	wrdreg s31  }
.LBB2_1:
0x12: {  	s0 =	simm.s32 $0x0;
	s1 =	rddreg [dreg:$0x5]  }
0x13: {  	[tilespmem:s0], [sflag:$0x1] =	stream.linear.gather [hbm4b:s1+s0], $0x1900, $0x38;
	[tilespmem:$0x12300] =	vst v63  }
0x14: {  	s30 =	simm.s32 $0x1900;
	s9 =	rddreg [dreg:$0x6]  }
0x15: {  	[tilespmem:s30], [sflag:$0x1] =	stream.linear.gather [hbm4b:s9+s0], $0x1900, $0x38;
	[tilespmem:$0x12300] =	vst v63  }
0x16: {  	s31 =	simm.s32 $0x3200;
	s10 =	rddreg [dreg:$0x7]  }
0x17: {  	[tilespmem:s31], [sflag:$0x1] =	stream.linear.gather [hbm4b:s10+s0], $0x1900, $0x38;
	[tilespmem:$0x12300] =	vst v63  }
0x18: {  	s2 =	rddreg [dreg:$0x8];
	s1 =	simm.s32 $0x4B00  }
0x19: {  	[tilespmem:s1], [sflag:$0x1] =	stream.linear.gather [hbm4b:s2+s0], $0x1900, $0x38;
	[tilespmem:$0x12300] =	vst v63  }
0x1a: {  	s11 =	rddreg [dreg:$0x3]  }
0x1b: {  	[tilespmem:s15], [sflag:$0x1] =	stream.linear.gather [hbm4b:s11+s0], $0x80, $0x38;
	[tilespmem:$0x12300] =	vst v63  }
0x1c: {  	s14 =	rddreg [dreg:$0x4]  }
0x1d: {  	[tilespmem:s16], [sflag:$0x1] =	stream.linear.gather [hbm4b:s14+s0], $0x3E80, $0x38;
	[tilespmem:$0x12300] =	vst v63  }
0x1e: {  	_ =	swait.ge [sflag:s17], $0x1900  }
0x1f: {  	[sflag:s17] =	ssyncset.done $0x0  }
0x20: {  	[sflag:s17] =	ssyncadd.s32 $0xFFFFE700  }
0x21: {  	_ =	swait.ge [sflag:s17], $0x1900  }
0x22: {  	[sflag:s17] =	ssyncset.done $0x0  }
0x23: {  	[sflag:s17] =	ssyncadd.s32 $0xFFFFE700  }
0x24: {  	_ =	swait.ge [sflag:s17], $0x1900  }
0x25: {  	[sflag:s17] =	ssyncset.done $0x0  }
0x26: {  	[sflag:s17] =	ssyncadd.s32 $0xFFFFE700  }
0x27: {  	_ =	swait.ge [sflag:s17], $0x1900  }
0x28: {  	[sflag:s17] =	ssyncset.done $0x0  }
0x29: {  	[sflag:s17] =	ssyncadd.s32 $0xFFFFE700  }
0x2a: {  	_ =	swait.ge [sflag:s17], $0x80  }
0x2b: {  	[sflag:s17] =	ssyncset.done $0x0  }
0x2c: {  	[sflag:s17] =	ssyncadd.s32 $0xFFFFFF80  }
0x2d: {  	_ =	swait.ge [sflag:s17], $0x3E80  }
0x2e: {  	s28 =	simm.s32 $0x3280;
	s8 =	simm.s32 $0x0;
	[sflag:s17] =	ssyncset.done $0x0  }
0x2f: {  	s2 =	simm.s32 $0x4B80;
	s14 =	simm.s32 $0x1980;
	[sflag:s17] =	ssyncadd.s32 $0xFFFFC180  }
0x30: {  	[tilespmem:s19], [sflag:$0x2] =	stream.indirect.gather [hbm4b:s4+s18], $0x40, s0, s18, $0xb8;
	[tilespmem:$0x12300] =	vst v63  }
.LBB2_2:
0x31: {  	s9 =	sshll.u32 s8, $0x8;
	s10 =	simm.s32 $0x0  }
0x32: {  	s11 =	smov.u32 s1;
	s6 =	smov.u32 s31;
	s5 =	smov.u32 s30  }
.LBB2_3:
0x33: {  	v4 =	vld [tilespmem:s5+$0x0];
	_ =	sdelay $0x5  }
0x34: {  	v1 =	vmov s10;
	v2 =	vld [tilespmem:s6+$0x0]  }
0x35: {  	v1 =	vshll.u32 v1, $0x6  }
0x36: {  	v1 =	vor.u32 v0, v1;
	v5 =	vld.idx.msk [tilespmem:v4+s15+$0x0], $0xffff;
	_ =	sdelay $0x3  }
0x37: {  	v3 =	vld [tilespmem:s11+$0x0]  }
0x38: {  	[tilespmem:v1+s20+$0x0] =	vst.idx.msk $0xffff, v5  }
0x39: {  	v6 =	vor.u32 $0x10, v1;
	v5 =	vld.idx.msk [tilespmem:v2+s16+$0x0], $0xffff;
	_ =	sdelay $0x4  }
0x3a: {  	[tilespmem:v6+s20+$0x0] =	vst.idx.msk $0xffff, v5  }
0x3b: {  	v33 =	vor.u32 $0x20, v1;
	v5 =	vld.idx.msk [tilespmem:v3+s16+$0x0], $0xffff  }
0x3c: {  	v7 =	vadd.s32 $0x8, v4;
	_ =	sdelay $0x3  }
0x3d: {  	[tilespmem:v33+s20+$0x0] =	vst.idx.msk $0xffff, v5  }
0x3e: {  	v34 =	vor.u32 $0x1, v1;
	v5 =	vld.idx.msk [tilespmem:v7+s15+$0x0], $0xffff  }
0x3f: {  	v35 =	vadd.s32 $0x3E8, v2;
	_ =	sdelay $0x3  }
0x40: {  	[tilespmem:v34+s20+$0x0] =	vst.idx.msk $0xffff, v5  }
0x41: {  	v36 =	vor.u32 $0x11, v1;
	v5 =	vld.idx.msk [tilespmem:v35+s16+$0x0], $0xffff  }
0x42: {  	v37 =	vadd.s32 $0x3E8, v3;
	_ =	sdelay $0x3  }
0x43: {  	[tilespmem:v36+s20+$0x0] =	vst.idx.msk $0xffff, v5  }
0x44: {  	v38 =	vor.u32 $0x21, v1;
	v5 =	vld.idx.msk [tilespmem:v37+s16+$0x0], $0xffff  }
0x45: {  	v39 =	vadd.s32 $0x10, v4;
	_ =	sdelay $0x3  }
0x46: {  	[tilespmem:v38+s20+$0x0] =	vst.idx.msk $0xffff, v5  }
0x47: {  	v40 =	vor.u32 $0x2, v1;
	v5 =	vld.idx.msk [tilespmem:v39+s15+$0x0], $0xffff  }
0x48: {  	v41 =	vadd.s32 $0x7D0, v2;
	_ =	sdelay $0x3  }
0x49: {  	[tilespmem:v40+s20+$0x0] =	vst.idx.msk $0xffff, v5  }
0x4a: {  	v42 =	vor.u32 $0x12, v1;
	v5 =	vld.idx.msk [tilespmem:v41+s16+$0x0], $0xffff  }
0x4b: {  	v43 =	vadd.s32 $0x7D0, v3;
	_ =	sdelay $0x3  }
0x4c: {  	[tilespmem:v42+s20+$0x0] =	vst.idx.msk $0xffff, v5  }
0x4d: {  	v44 =	vor.u32 $0x22, v1;
	v5 =	vld.idx.msk [tilespmem:v43+s16+$0x0], $0xffff  }
0x4e: {  	v45 =	vadd.s32 $0x18, v4;
	_ =	sdelay $0x3  }
0x4f: {  	[tilespmem:v44+s20+$0x0] =	vst.idx.msk $0xffff, v5  }
0x50: {  	v46 =	vor.u32 $0x3, v1;
	v5 =	vld.idx.msk [tilespmem:v45+s15+$0x0], $0xffff  }
0x51: {  	v47 =	vadd.s32 $0xBB8, v2;
	_ =	sdelay $0x3  }
0x52: {  	[tilespmem:v46+s20+$0x0] =	vst.idx.msk $0xffff, v5  }
0x53: {  	v48 =	vor.u32 $0x13, v1;
	v5 =	vld.idx.msk [tilespmem:v47+s16+$0x0], $0xffff  }
0x54: {  	v49 =	vadd.s32 $0xBB8, v3;
	_ =	sdelay $0x3  }
0x55: {  	[tilespmem:v48+s20+$0x0] =	vst.idx.msk $0xffff, v5  }
0x56: {  	v50 =	vor.u32 $0x23, v1;
	v5 =	vld.idx.msk [tilespmem:v49+s16+$0x0], $0xffff  }
0x57: {  	v51 =	vadd.s32 $0x20, v4;
	_ =	sdelay $0x3  }
0x58: {  	[tilespmem:v50+s20+$0x0] =	vst.idx.msk $0xffff, v5  }
0x59: {  	v52 =	vor.u32 $0x4, v1;
	v5 =	vld.idx.msk [tilespmem:v51+s15+$0x0], $0xffff  }
0x5a: {  	v53 =	vadd.s32 $0xFA0, v2;
	_ =	sdelay $0x3  }
0x5b: {  	[tilespmem:v52+s20+$0x0] =	vst.idx.msk $0xffff, v5  }
0x5c: {  	v54 =	vor.u32 $0x14, v1;
	v5 =	vld.idx.msk [tilespmem:v53+s16+$0x0], $0xffff  }
0x5d: {  	v55 =	vadd.s32 $0xFA0, v3;
	_ =	sdelay $0x3  }
0x5e: {  	[tilespmem:v54+s20+$0x0] =	vst.idx.msk $0xffff, v5  }
0x5f: {  	v56 =	vor.u32 $0x24, v1;
	v5 =	vld.idx.msk [tilespmem:v55+s16+$0x0], $0xffff  }
0x60: {  	v57 =	vadd.s32 $0x28, v4;
	_ =	sdelay $0x3  }
0x61: {  	[tilespmem:v56+s20+$0x0] =	vst.idx.msk $0xffff, v5  }
0x62: {  	v58 =	vor.u32 $0x5, v1;
	v5 =	vld.idx.msk [tilespmem:v57+s15+$0x0], $0xffff  }
0x63: {  	v59 =	vadd.s32 $0x1388, v2;
	_ =	sdelay $0x3  }
0x64: {  	[tilespmem:v58+s20+$0x0] =	vst.idx.msk $0xffff, v5  }
0x65: {  	v60 =	vor.u32 $0x15, v1;
	v5 =	vld.idx.msk [tilespmem:v59+s16+$0x0], $0xffff  }
0x66: {  	v61 =	vadd.s32 $0x1388, v3;
	_ =	sdelay $0x3  }
0x67: {  	[tilespmem:v60+s20+$0x0] =	vst.idx.msk $0xffff, v5  }
0x68: {  	v62 =	vor.u32 $0x25, v1;
	v5 =	vld.idx.msk [tilespmem:v61+s16+$0x0], $0xffff  }
0x69: {  	v63 =	vadd.s32 $0x30, v4;
	_ =	sdelay $0x3  }
0x6a: {  	[tilespmem:v62+s20+$0x0] =	vst.idx.msk $0xffff, v5  }
0x6b: {  	v9 =	vor.u32 $0x6, v1;
	v5 =	vld.idx.msk [tilespmem:v63+s15+$0x0], $0xffff  }
0x6c: {  	v10 =	vadd.s32 $0x1770, v2;
	_ =	sdelay $0x3  }
0x6d: {  	[tilespmem:v9+s20+$0x0] =	vst.idx.msk $0xffff, v5  }
0x6e: {  	v11 =	vor.u32 $0x16, v1;
	v5 =	vld.idx.msk [tilespmem:v10+s16+$0x0], $0xffff  }
0x6f: {  	v12 =	vadd.s32 $0x1770, v3;
	_ =	sdelay $0x3  }
0x70: {  	[tilespmem:v11+s20+$0x0] =	vst.idx.msk $0xffff, v5  }
0x71: {  	v13 =	vor.u32 $0x26, v1;
	v5 =	vld.idx.msk [tilespmem:v12+s16+$0x0], $0xffff  }
0x72: {  	v14 =	vadd.s32 $0x38, v4;
	_ =	sdelay $0x3  }
0x73: {  	[tilespmem:v13+s20+$0x0] =	vst.idx.msk $0xffff, v5  }
0x74: {  	v15 =	vor.u32 $0x7, v1;
	v5 =	vld.idx.msk [tilespmem:v14+s15+$0x0], $0xffff  }
0x75: {  	v16 =	vadd.s32 $0x1B58, v2;
	_ =	sdelay $0x3  }
0x76: {  	[tilespmem:v15+s20+$0x0] =	vst.idx.msk $0xffff, v5  }
0x77: {  	v17 =	vor.u32 $0x17, v1;
	v5 =	vld.idx.msk [tilespmem:v16+s16+$0x0], $0xffff  }
0x78: {  	v18 =	vadd.s32 $0x1B58, v3;
	_ =	sdelay $0x3  }
0x79: {  	[tilespmem:v17+s20+$0x0] =	vst.idx.msk $0xffff, v5  }
0x7a: {  	v19 =	vor.u32 $0x27, v1;
	v5 =	vld.idx.msk [tilespmem:v18+s16+$0x0], $0xffff  }
0x7b: {  	v20 =	vadd.s32 $0x40, v4;
	_ =	sdelay $0x3  }
0x7c: {  	[tilespmem:v19+s20+$0x0] =	vst.idx.msk $0xffff, v5  }
0x7d: {  	v21 =	vor.u32 $0x8, v1;
	v5 =	vld.idx.msk [tilespmem:v20+s15+$0x0], $0xffff  }
0x7e: {  	v22 =	vadd.s32 $0x1F40, v2;
	_ =	sdelay $0x3  }
0x7f: {  	[tilespmem:v21+s20+$0x0] =	vst.idx.msk $0xffff, v5  }
0x80: {  	v23 =	vor.u32 $0x18, v1;
	v5 =	vld.idx.msk [tilespmem:v22+s16+$0x0], $0xffff  }
0x81: {  	v24 =	vadd.s32 $0x1F40, v3;
	_ =	sdelay $0x3  }
0x82: {  	[tilespmem:v23+s20+$0x0] =	vst.idx.msk $0xffff, v5  }
0x83: {  	v25 =	vor.u32 $0x28, v1;
	v5 =	vld.idx.msk [tilespmem:v24+s16+$0x0], $0xffff  }
0x84: {  	v26 =	vadd.s32 $0x48, v4;
	_ =	sdelay $0x3  }
0x85: {  	[tilespmem:v25+s20+$0x0] =	vst.idx.msk $0xffff, v5  }
0x86: {  	v27 =	vor.u32 $0x9, v1;
	v5 =	vld.idx.msk [tilespmem:v26+s15+$0x0], $0xffff  }
0x87: {  	v28 =	vadd.s32 $0x2328, v2;
	_ =	sdelay $0x3  }
0x88: {  	[tilespmem:v27+s20+$0x0] =	vst.idx.msk $0xffff, v5  }
0x89: {  	v29 =	vor.u32 $0x19, v1;
	v5 =	vld.idx.msk [tilespmem:v28+s16+$0x0], $0xffff  }
0x8a: {  	v30 =	vadd.s32 $0x2328, v3;
	_ =	sdelay $0x3  }
0x8b: {  	[tilespmem:v29+s20+$0x0] =	vst.idx.msk $0xffff, v5  }
0x8c: {  	v31 =	vor.u32 $0x29, v1;
	v5 =	vld.idx.msk [tilespmem:v30+s16+$0x0], $0xffff  }
0x8d: {  	v32 =	vadd.s32 $0x50, v4;
	_ =	sdelay $0x3  }
0x8e: {  	[tilespmem:v31+s20+$0x0] =	vst.idx.msk $0xffff, v5  }
0x8f: {  	v33 =	vor.u32 $0xA, v1;
	v5 =	vld.idx.msk [tilespmem:v32+s15+$0x0], $0xffff  }
0x90: {  	v34 =	vadd.s32 $0x2710, v2;
	_ =	sdelay $0x3  }
0x91: {  	[tilespmem:v33+s20+$0x0] =	vst.idx.msk $0xffff, v5  }
0x92: {  	v35 =	vor.u32 $0x1A, v1;
	v5 =	vld.idx.msk [tilespmem:v34+s16+$0x0], $0xffff  }
0x93: {  	v36 =	vadd.s32 $0x2710, v3;
	_ =	sdelay $0x3  }
0x94: {  	[tilespmem:v35+s20+$0x0] =	vst.idx.msk $0xffff, v5  }
0x95: {  	v37 =	vor.u32 $0x2A, v1;
	v5 =	vld.idx.msk [tilespmem:v36+s16+$0x0], $0xffff  }
0x96: {  	v38 =	vadd.s32 $0x58, v4;
	_ =	sdelay $0x3  }
0x97: {  	[tilespmem:v37+s20+$0x0] =	vst.idx.msk $0xffff, v5  }
0x98: {  	v39 =	vor.u32 $0xB, v1;
	v5 =	vld.idx.msk [tilespmem:v38+s15+$0x0], $0xffff  }
0x99: {  	v40 =	vadd.s32 $0x2AF8, v2;
	_ =	sdelay $0x3  }
0x9a: {  	[tilespmem:v39+s20+$0x0] =	vst.idx.msk $0xffff, v5  }
0x9b: {  	v41 =	vor.u32 $0x1B, v1;
	v5 =	vld.idx.msk [tilespmem:v40+s16+$0x0], $0xffff  }
0x9c: {  	v42 =	vadd.s32 $0x2AF8, v3;
	_ =	sdelay $0x3  }
0x9d: {  	[tilespmem:v41+s20+$0x0] =	vst.idx.msk $0xffff, v5  }
0x9e: {  	v43 =	vor.u32 $0x2B, v1;
	v5 =	vld.idx.msk [tilespmem:v42+s16+$0x0], $0xffff  }
0x9f: {  	v44 =	vadd.s32 $0x60, v4;
	_ =	sdelay $0x3  }
0xa0: {  	[tilespmem:v43+s20+$0x0] =	vst.idx.msk $0xffff, v5  }
0xa1: {  	v45 =	vor.u32 $0xC, v1;
	v5 =	vld.idx.msk [tilespmem:v44+s15+$0x0], $0xffff  }
0xa2: {  	v46 =	vadd.s32 $0x2EE0, v2;
	_ =	sdelay $0x3  }
0xa3: {  	[tilespmem:v45+s20+$0x0] =	vst.idx.msk $0xffff, v5  }
0xa4: {  	v47 =	vor.u32 $0x1C, v1;
	v5 =	vld.idx.msk [tilespmem:v46+s16+$0x0], $0xffff  }
0xa5: {  	v48 =	vadd.s32 $0x2EE0, v3;
	_ =	sdelay $0x3  }
0xa6: {  	[tilespmem:v47+s20+$0x0] =	vst.idx.msk $0xffff, v5  }
0xa7: {  	v49 =	vor.u32 $0x2C, v1;
	v5 =	vld.idx.msk [tilespmem:v48+s16+$0x0], $0xffff  }
0xa8: {  	v50 =	vadd.s32 $0x68, v4;
	_ =	sdelay $0x3  }
0xa9: {  	[tilespmem:v49+s20+$0x0] =	vst.idx.msk $0xffff, v5  }
0xaa: {  	v51 =	vor.u32 $0xD, v1;
	v5 =	vld.idx.msk [tilespmem:v50+s15+$0x0], $0xffff  }
0xab: {  	v52 =	vadd.s32 $0x32C8, v2;
	_ =	sdelay $0x3  }
0xac: {  	[tilespmem:v51+s20+$0x0] =	vst.idx.msk $0xffff, v5  }
0xad: {  	v53 =	vor.u32 $0x1D, v1;
	v5 =	vld.idx.msk [tilespmem:v52+s16+$0x0], $0xffff  }
0xae: {  	v54 =	vadd.s32 $0x32C8, v3;
	_ =	sdelay $0x3  }
0xaf: {  	[tilespmem:v53+s20+$0x0] =	vst.idx.msk $0xffff, v5  }
0xb0: {  	v55 =	vor.u32 $0x2D, v1;
	v5 =	vld.idx.msk [tilespmem:v54+s16+$0x0], $0xffff  }
0xb1: {  	v56 =	vadd.s32 $0x70, v4;
	_ =	sdelay $0x3  }
0xb2: {  	[tilespmem:v55+s20+$0x0] =	vst.idx.msk $0xffff, v5  }
0xb3: {  	v57 =	vor.u32 $0xE, v1;
	v5 =	vld.idx.msk [tilespmem:v56+s15+$0x0], $0xffff  }
0xb4: {  	v58 =	vadd.s32 $0x36B0, v2;
	_ =	sdelay $0x3  }
0xb5: {  	[tilespmem:v57+s20+$0x0] =	vst.idx.msk $0xffff, v5  }
0xb6: {  	v59 =	vor.u32 $0x1E, v1;
	v5 =	vld.idx.msk [tilespmem:v58+s16+$0x0], $0xffff  }
0xb7: {  	v60 =	vadd.s32 $0x36B0, v3;
	_ =	sdelay $0x3  }
0xb8: {  	[tilespmem:v59+s20+$0x0] =	vst.idx.msk $0xffff, v5  }
0xb9: {  	v61 =	vor.u32 $0x2E, v1;
	v5 =	vld.idx.msk [tilespmem:v60+s16+$0x0], $0xffff  }
0xba: {  	v4 =	vadd.s32 $0x78, v4;
	_ =	sdelay $0x3  }
0xbb: {  	[tilespmem:v61+s20+$0x0] =	vst.idx.msk $0xffff, v5  }
0xbc: {  	v62 =	vor.u32 $0xF, v1;
	v4 =	vld.idx.msk [tilespmem:v4+s15+$0x0], $0xffff  }
0xbd: {  	v2 =	vadd.s32 $0x3A98, v2;
	_ =	sdelay $0x3  }
0xbe: {  	[tilespmem:v62+s20+$0x0] =	vst.idx.msk $0xffff, v4  }
0xbf: {  	v63 =	vor.u32 $0x1F, v1;
	v2 =	vld.idx.msk [tilespmem:v2+s16+$0x0], $0xffff  }
0xc0: {  	v3 =	vadd.s32 $0x3A98, v3;
	_ =	sdelay $0x3  }
0xc1: {  	[tilespmem:v63+s20+$0x0] =	vst.idx.msk $0xffff, v2  }
0xc2: {  	p0 =	sne.s32 s10, $0x70;
	v1 =	vor.u32 $0x2F, v1;
	v2 =	vld.idx.msk [tilespmem:v3+s16+$0x0], $0xffff  }
.Ltmp0:
0xc3: {  	_ = 	snop;
	(pc) =	sbr.rel @p0 .LBB2_3-.Ltmp0, $3  }
0xc4: {  	_ =	sdelay $0x1  }
0xc5: {  	s5 =	sadd.s32 $0x10, s5  }
0xc6: {  	s6 =	sadd.s32 $0x10, s6;
	s11 =	sadd.s32 $0x10, s11;
	s10 =	sadd.s32 $0x10, s10;
	[tilespmem:v1+s20+$0x0] =	vst.idx.msk $0xffff, v2  }
0xc7: {  	p0 =	seq.s32 s8, $0x0  }
0xc8: {  	s0 =	simm.s32 @!p0 $0x5  }
0xc9: {  	_ =	swait.ge @!p0 [sflag:s0], $0x2000  }
0xca: {  	[sflag:s0] =	ssyncset.done @!p0 $0x0  }
0xcb: {  	[sflag:s0] =	ssyncadd.s32 @!p0 $0xFFFFE000  }
0xcc: {  	_ =	swait.ge @!p0 [sflag:s0], $0x2000  }
0xcd: {  	[sflag:s0] =	ssyncset.done @!p0 $0x0  }
0xce: {  	s9 =	sor.u32 $0x80, s9;
	s11 =	sshll.u32 s8, $0xF;
	[sflag:s0] =	ssyncadd.s32 @!p0 $0xFFFFE000  }
0xcf: {  	[tilespmem:s21], [sflag:$0x3] =	stream.indirect.gather [hbm4b:s4+s18], $0x40, s9, s18, $0xb8;
	[tilespmem:$0x12300] =	vst v63  }
0xd0: {  	s0 =	sadd.s32 s12, s11;
	_ =	swait.ge [sflag:s22], $0x2000  }
0xd1: {  	s0 =	sshrl.u32 s0, $0x3;
	[sflag:s22] =	ssyncset.done $0x0  }
0xd2: {  	s5 =	sadd.s32 s7, s0;
	[sflag:s22] =	ssyncadd.s32 $0xFFFFE000  }
0xd3: {  	[hbm4b:s5+s23] =	stream.strided.scatter [tilespmem:s19], [sflag:$0x4], $0x2000, s18, s23, $0x38;
	[tilespmem:$0x12300] =	vst v63  }
0xd4: {  	s10 =	sshll.u32 s8, $0x1;
	s6 =	smov.u32 s14;
	s0 =	sadd.s32 s0, s13  }
0xd5: {  	[hbm4b:s0+s23] =	stream.strided.scatter [tilespmem:s20], [sflag:$0x4], $0x2000, s18, s23, $0x38;
	[tilespmem:$0x12300] =	vst v63  }
0xd6: {  	s11 =	simm.s32 $0x0;
	s5 =	smov.u32 s28;
	s0 =	smov.u32 s2  }
.LBB2_5:
0xd7: {  	v4 =	vld [tilespmem:s6+$0x0];
	_ =	sdelay $0x5  }
0xd8: {  	v1 =	vmov s11;
	v2 =	vld [tilespmem:s5+$0x0]  }
0xd9: {  	v1 =	vshll.u32 v1, $0x6  }
0xda: {  	v1 =	vor.u32 v0, v1;
	v5 =	vld.idx.msk [tilespmem:v4+s15+$0x0], $0xffff;
	_ =	sdelay $0x3  }
0xdb: {  	v3 =	vld [tilespmem:s0+$0x0]  }
0xdc: {  	[tilespmem:v1+s24+$0x0] =	vst.idx.msk $0xffff, v5  }
0xdd: {  	v6 =	vor.u32 $0x10, v1;
	v5 =	vld.idx.msk [tilespmem:v2+s16+$0x0], $0xffff;
	_ =	sdelay $0x4  }
0xde: {  	[tilespmem:v6+s24+$0x0] =	vst.idx.msk $0xffff, v5  }
0xdf: {  	v33 =	vor.u32 $0x20, v1;
	v5 =	vld.idx.msk [tilespmem:v3+s16+$0x0], $0xffff  }
0xe0: {  	v7 =	vadd.s32 $0x8, v4;
	_ =	sdelay $0x3  }
0xe1: {  	[tilespmem:v33+s24+$0x0] =	vst.idx.msk $0xffff, v5  }
0xe2: {  	v34 =	vor.u32 $0x1, v1;
	v5 =	vld.idx.msk [tilespmem:v7+s15+$0x0], $0xffff  }
0xe3: {  	v35 =	vadd.s32 $0x3E8, v2;
	_ =	sdelay $0x3  }
0xe4: {  	[tilespmem:v34+s24+$0x0] =	vst.idx.msk $0xffff, v5  }
0xe5: {  	v36 =	vor.u32 $0x11, v1;
	v5 =	vld.idx.msk [tilespmem:v35+s16+$0x0], $0xffff  }
0xe6: {  	v37 =	vadd.s32 $0x3E8, v3;
	_ =	sdelay $0x3  }
0xe7: {  	[tilespmem:v36+s24+$0x0] =	vst.idx.msk $0xffff, v5  }
0xe8: {  	v38 =	vor.u32 $0x21, v1;
	v5 =	vld.idx.msk [tilespmem:v37+s16+$0x0], $0xffff  }
0xe9: {  	v39 =	vadd.s32 $0x10, v4;
	_ =	sdelay $0x3  }
0xea: {  	[tilespmem:v38+s24+$0x0] =	vst.idx.msk $0xffff, v5  }
0xeb: {  	v40 =	vor.u32 $0x2, v1;
	v5 =	vld.idx.msk [tilespmem:v39+s15+$0x0], $0xffff  }
0xec: {  	v41 =	vadd.s32 $0x7D0, v2;
	_ =	sdelay $0x3  }
0xed: {  	[tilespmem:v40+s24+$0x0] =	vst.idx.msk $0xffff, v5  }
0xee: {  	v42 =	vor.u32 $0x12, v1;
	v5 =	vld.idx.msk [tilespmem:v41+s16+$0x0], $0xffff  }
0xef: {  	v43 =	vadd.s32 $0x7D0, v3;
	_ =	sdelay $0x3  }
0xf0: {  	[tilespmem:v42+s24+$0x0] =	vst.idx.msk $0xffff, v5  }
0xf1: {  	v44 =	vor.u32 $0x22, v1;
	v5 =	vld.idx.msk [tilespmem:v43+s16+$0x0], $0xffff  }
0xf2: {  	v45 =	vadd.s32 $0x18, v4;
	_ =	sdelay $0x3  }
0xf3: {  	[tilespmem:v44+s24+$0x0] =	vst.idx.msk $0xffff, v5  }
0xf4: {  	v46 =	vor.u32 $0x3, v1;
	v5 =	vld.idx.msk [tilespmem:v45+s15+$0x0], $0xffff  }
0xf5: {  	v47 =	vadd.s32 $0xBB8, v2;
	_ =	sdelay $0x3  }
0xf6: {  	[tilespmem:v46+s24+$0x0] =	vst.idx.msk $0xffff, v5  }
0xf7: {  	v48 =	vor.u32 $0x13, v1;
	v5 =	vld.idx.msk [tilespmem:v47+s16+$0x0], $0xffff  }
0xf8: {  	v49 =	vadd.s32 $0xBB8, v3;
	_ =	sdelay $0x3  }
0xf9: {  	[tilespmem:v48+s24+$0x0] =	vst.idx.msk $0xffff, v5  }
0xfa: {  	v50 =	vor.u32 $0x23, v1;
	v5 =	vld.idx.msk [tilespmem:v49+s16+$0x0], $0xffff  }
0xfb: {  	v51 =	vadd.s32 $0x20, v4;
	_ =	sdelay $0x3  }
0xfc: {  	[tilespmem:v50+s24+$0x0] =	vst.idx.msk $0xffff, v5  }
0xfd: {  	v52 =	vor.u32 $0x4, v1;
	v5 =	vld.idx.msk [tilespmem:v51+s15+$0x0], $0xffff  }
0xfe: {  	v53 =	vadd.s32 $0xFA0, v2;
	_ =	sdelay $0x3  }
0xff: {  	[tilespmem:v52+s24+$0x0] =	vst.idx.msk $0xffff, v5  }
0x100: {  	v54 =	vor.u32 $0x14, v1;
	v5 =	vld.idx.msk [tilespmem:v53+s16+$0x0], $0xffff  }
0x101: {  	v55 =	vadd.s32 $0xFA0, v3;
	_ =	sdelay $0x3  }
0x102: {  	[tilespmem:v54+s24+$0x0] =	vst.idx.msk $0xffff, v5  }
0x103: {  	v56 =	vor.u32 $0x24, v1;
	v5 =	vld.idx.msk [tilespmem:v55+s16+$0x0], $0xffff  }
0x104: {  	v57 =	vadd.s32 $0x28, v4;
	_ =	sdelay $0x3  }
0x105: {  	[tilespmem:v56+s24+$0x0] =	vst.idx.msk $0xffff, v5  }
0x106: {  	v58 =	vor.u32 $0x5, v1;
	v5 =	vld.idx.msk [tilespmem:v57+s15+$0x0], $0xffff  }
0x107: {  	v59 =	vadd.s32 $0x1388, v2;
	_ =	sdelay $0x3  }
0x108: {  	[tilespmem:v58+s24+$0x0] =	vst.idx.msk $0xffff, v5  }
0x109: {  	v60 =	vor.u32 $0x15, v1;
	v5 =	vld.idx.msk [tilespmem:v59+s16+$0x0], $0xffff  }
0x10a: {  	v61 =	vadd.s32 $0x1388, v3;
	_ =	sdelay $0x3  }
0x10b: {  	[tilespmem:v60+s24+$0x0] =	vst.idx.msk $0xffff, v5  }
0x10c: {  	v62 =	vor.u32 $0x25, v1;
	v5 =	vld.idx.msk [tilespmem:v61+s16+$0x0], $0xffff  }
0x10d: {  	v63 =	vadd.s32 $0x30, v4;
	_ =	sdelay $0x3  }
0x10e: {  	[tilespmem:v62+s24+$0x0] =	vst.idx.msk $0xffff, v5  }
0x10f: {  	v9 =	vor.u32 $0x6, v1;
	v5 =	vld.idx.msk [tilespmem:v63+s15+$0x0], $0xffff  }
0x110: {  	v10 =	vadd.s32 $0x1770, v2;
	_ =	sdelay $0x3  }
0x111: {  	[tilespmem:v9+s24+$0x0] =	vst.idx.msk $0xffff, v5  }
0x112: {  	v11 =	vor.u32 $0x16, v1;
	v5 =	vld.idx.msk [tilespmem:v10+s16+$0x0], $0xffff  }
0x113: {  	v12 =	vadd.s32 $0x1770, v3;
	_ =	sdelay $0x3  }
0x114: {  	[tilespmem:v11+s24+$0x0] =	vst.idx.msk $0xffff, v5  }
0x115: {  	v13 =	vor.u32 $0x26, v1;
	v5 =	vld.idx.msk [tilespmem:v12+s16+$0x0], $0xffff  }
0x116: {  	v14 =	vadd.s32 $0x38, v4;
	_ =	sdelay $0x3  }
0x117: {  	[tilespmem:v13+s24+$0x0] =	vst.idx.msk $0xffff, v5  }
0x118: {  	v15 =	vor.u32 $0x7, v1;
	v5 =	vld.idx.msk [tilespmem:v14+s15+$0x0], $0xffff  }
0x119: {  	v16 =	vadd.s32 $0x1B58, v2;
	_ =	sdelay $0x3  }
0x11a: {  	[tilespmem:v15+s24+$0x0] =	vst.idx.msk $0xffff, v5  }
0x11b: {  	v17 =	vor.u32 $0x17, v1;
	v5 =	vld.idx.msk [tilespmem:v16+s16+$0x0], $0xffff  }
0x11c: {  	v18 =	vadd.s32 $0x1B58, v3;
	_ =	sdelay $0x3  }
0x11d: {  	[tilespmem:v17+s24+$0x0] =	vst.idx.msk $0xffff, v5  }
0x11e: {  	v19 =	vor.u32 $0x27, v1;
	v5 =	vld.idx.msk [tilespmem:v18+s16+$0x0], $0xffff  }
0x11f: {  	v20 =	vadd.s32 $0x40, v4;
	_ =	sdelay $0x3  }
0x120: {  	[tilespmem:v19+s24+$0x0] =	vst.idx.msk $0xffff, v5  }
0x121: {  	v21 =	vor.u32 $0x8, v1;
	v5 =	vld.idx.msk [tilespmem:v20+s15+$0x0], $0xffff  }
0x122: {  	v22 =	vadd.s32 $0x1F40, v2;
	_ =	sdelay $0x3  }
0x123: {  	[tilespmem:v21+s24+$0x0] =	vst.idx.msk $0xffff, v5  }
0x124: {  	v23 =	vor.u32 $0x18, v1;
	v5 =	vld.idx.msk [tilespmem:v22+s16+$0x0], $0xffff  }
0x125: {  	v24 =	vadd.s32 $0x1F40, v3;
	_ =	sdelay $0x3  }
0x126: {  	[tilespmem:v23+s24+$0x0] =	vst.idx.msk $0xffff, v5  }
0x127: {  	v25 =	vor.u32 $0x28, v1;
	v5 =	vld.idx.msk [tilespmem:v24+s16+$0x0], $0xffff  }
0x128: {  	v26 =	vadd.s32 $0x48, v4;
	_ =	sdelay $0x3  }
0x129: {  	[tilespmem:v25+s24+$0x0] =	vst.idx.msk $0xffff, v5  }
0x12a: {  	v27 =	vor.u32 $0x9, v1;
	v5 =	vld.idx.msk [tilespmem:v26+s15+$0x0], $0xffff  }
0x12b: {  	v28 =	vadd.s32 $0x2328, v2;
	_ =	sdelay $0x3  }
0x12c: {  	[tilespmem:v27+s24+$0x0] =	vst.idx.msk $0xffff, v5  }
0x12d: {  	v29 =	vor.u32 $0x19, v1;
	v5 =	vld.idx.msk [tilespmem:v28+s16+$0x0], $0xffff  }
0x12e: {  	v30 =	vadd.s32 $0x2328, v3;
	_ =	sdelay $0x3  }
0x12f: {  	[tilespmem:v29+s24+$0x0] =	vst.idx.msk $0xffff, v5  }
0x130: {  	v31 =	vor.u32 $0x29, v1;
	v5 =	vld.idx.msk [tilespmem:v30+s16+$0x0], $0xffff  }
0x131: {  	v32 =	vadd.s32 $0x50, v4;
	_ =	sdelay $0x3  }
0x132: {  	[tilespmem:v31+s24+$0x0] =	vst.idx.msk $0xffff, v5  }
0x133: {  	v33 =	vor.u32 $0xA, v1;
	v5 =	vld.idx.msk [tilespmem:v32+s15+$0x0], $0xffff  }
0x134: {  	v34 =	vadd.s32 $0x2710, v2;
	_ =	sdelay $0x3  }
0x135: {  	[tilespmem:v33+s24+$0x0] =	vst.idx.msk $0xffff, v5  }
0x136: {  	v35 =	vor.u32 $0x1A, v1;
	v5 =	vld.idx.msk [tilespmem:v34+s16+$0x0], $0xffff  }
0x137: {  	v36 =	vadd.s32 $0x2710, v3;
	_ =	sdelay $0x3  }
0x138: {  	[tilespmem:v35+s24+$0x0] =	vst.idx.msk $0xffff, v5  }
0x139: {  	v37 =	vor.u32 $0x2A, v1;
	v5 =	vld.idx.msk [tilespmem:v36+s16+$0x0], $0xffff  }
0x13a: {  	v38 =	vadd.s32 $0x58, v4;
	_ =	sdelay $0x3  }
0x13b: {  	[tilespmem:v37+s24+$0x0] =	vst.idx.msk $0xffff, v5  }
0x13c: {  	v39 =	vor.u32 $0xB, v1;
	v5 =	vld.idx.msk [tilespmem:v38+s15+$0x0], $0xffff  }
0x13d: {  	v40 =	vadd.s32 $0x2AF8, v2;
	_ =	sdelay $0x3  }
0x13e: {  	[tilespmem:v39+s24+$0x0] =	vst.idx.msk $0xffff, v5  }
0x13f: {  	v41 =	vor.u32 $0x1B, v1;
	v5 =	vld.idx.msk [tilespmem:v40+s16+$0x0], $0xffff  }
0x140: {  	v42 =	vadd.s32 $0x2AF8, v3;
	_ =	sdelay $0x3  }
0x141: {  	[tilespmem:v41+s24+$0x0] =	vst.idx.msk $0xffff, v5  }
0x142: {  	v43 =	vor.u32 $0x2B, v1;
	v5 =	vld.idx.msk [tilespmem:v42+s16+$0x0], $0xffff  }
0x143: {  	v44 =	vadd.s32 $0x60, v4;
	_ =	sdelay $0x3  }
0x144: {  	[tilespmem:v43+s24+$0x0] =	vst.idx.msk $0xffff, v5  }
0x145: {  	v45 =	vor.u32 $0xC, v1;
	v5 =	vld.idx.msk [tilespmem:v44+s15+$0x0], $0xffff  }
0x146: {  	v46 =	vadd.s32 $0x2EE0, v2;
	_ =	sdelay $0x3  }
0x147: {  	[tilespmem:v45+s24+$0x0] =	vst.idx.msk $0xffff, v5  }
0x148: {  	v47 =	vor.u32 $0x1C, v1;
	v5 =	vld.idx.msk [tilespmem:v46+s16+$0x0], $0xffff  }
0x149: {  	v48 =	vadd.s32 $0x2EE0, v3;
	_ =	sdelay $0x3  }
0x14a: {  	[tilespmem:v47+s24+$0x0] =	vst.idx.msk $0xffff, v5  }
0x14b: {  	v49 =	vor.u32 $0x2C, v1;
	v5 =	vld.idx.msk [tilespmem:v48+s16+$0x0], $0xffff  }
0x14c: {  	v50 =	vadd.s32 $0x68, v4;
	_ =	sdelay $0x3  }
0x14d: {  	[tilespmem:v49+s24+$0x0] =	vst.idx.msk $0xffff, v5  }
0x14e: {  	v51 =	vor.u32 $0xD, v1;
	v5 =	vld.idx.msk [tilespmem:v50+s15+$0x0], $0xffff  }
0x14f: {  	v52 =	vadd.s32 $0x32C8, v2;
	_ =	sdelay $0x3  }
0x150: {  	[tilespmem:v51+s24+$0x0] =	vst.idx.msk $0xffff, v5  }
0x151: {  	v53 =	vor.u32 $0x1D, v1;
	v5 =	vld.idx.msk [tilespmem:v52+s16+$0x0], $0xffff  }
0x152: {  	v54 =	vadd.s32 $0x32C8, v3;
	_ =	sdelay $0x3  }
0x153: {  	[tilespmem:v53+s24+$0x0] =	vst.idx.msk $0xffff, v5  }
0x154: {  	v55 =	vor.u32 $0x2D, v1;
	v5 =	vld.idx.msk [tilespmem:v54+s16+$0x0], $0xffff  }
0x155: {  	v56 =	vadd.s32 $0x70, v4;
	_ =	sdelay $0x3  }
0x156: {  	[tilespmem:v55+s24+$0x0] =	vst.idx.msk $0xffff, v5  }
0x157: {  	v57 =	vor.u32 $0xE, v1;
	v5 =	vld.idx.msk [tilespmem:v56+s15+$0x0], $0xffff  }
0x158: {  	v58 =	vadd.s32 $0x36B0, v2;
	_ =	sdelay $0x3  }
0x159: {  	[tilespmem:v57+s24+$0x0] =	vst.idx.msk $0xffff, v5  }
0x15a: {  	v59 =	vor.u32 $0x1E, v1;
	v5 =	vld.idx.msk [tilespmem:v58+s16+$0x0], $0xffff  }
0x15b: {  	v60 =	vadd.s32 $0x36B0, v3;
	_ =	sdelay $0x3  }
0x15c: {  	[tilespmem:v59+s24+$0x0] =	vst.idx.msk $0xffff, v5  }
0x15d: {  	v61 =	vor.u32 $0x2E, v1;
	v5 =	vld.idx.msk [tilespmem:v60+s16+$0x0], $0xffff  }
0x15e: {  	v4 =	vadd.s32 $0x78, v4;
	_ =	sdelay $0x3  }
0x15f: {  	[tilespmem:v61+s24+$0x0] =	vst.idx.msk $0xffff, v5  }
0x160: {  	v62 =	vor.u32 $0xF, v1;
	v4 =	vld.idx.msk [tilespmem:v4+s15+$0x0], $0xffff  }
0x161: {  	v2 =	vadd.s32 $0x3A98, v2;
	_ =	sdelay $0x3  }
0x162: {  	[tilespmem:v62+s24+$0x0] =	vst.idx.msk $0xffff, v4  }
0x163: {  	v63 =	vor.u32 $0x1F, v1;
	v2 =	vld.idx.msk [tilespmem:v2+s16+$0x0], $0xffff  }
0x164: {  	v3 =	vadd.s32 $0x3A98, v3;
	_ =	sdelay $0x3  }
0x165: {  	[tilespmem:v63+s24+$0x0] =	vst.idx.msk $0xffff, v2  }
0x166: {  	p0 =	sne.s32 s11, $0x70;
	v1 =	vor.u32 $0x2F, v1;
	v2 =	vld.idx.msk [tilespmem:v3+s16+$0x0], $0xffff  }
.Ltmp1:
0x167: {  	_ = 	snop;
	(pc) =	sbr.rel @p0 .LBB2_5-.Ltmp1, $3  }
0x168: {  	_ =	sdelay $0x1  }
0x169: {  	s0 =	sadd.s32 $0x10, s0  }
0x16a: {  	s5 =	sadd.s32 $0x10, s5;
	s6 =	sadd.s32 $0x10, s6;
	s11 =	sadd.s32 $0x10, s11;
	[tilespmem:v1+s24+$0x0] =	vst.idx.msk $0xffff, v2  }
0x16b: {  	_ =	swait.ge [sflag:s25], $0x2000  }
0x16c: {  	[sflag:s25] =	ssyncset.done $0x0  }
0x16d: {  	s0 =	smin.u32 s10, $0x2F;
	[sflag:s25] =	ssyncadd.s32 $0xFFFFE000  }
0x16e: {  	s11 =	sadd.s32 s3, s9;
	s8 =	sadd.s32 $0x1, s8;
	_ =	swait.ge [sflag:s25], $0x2000  }
0x16f: {  	s30 =	sadd.s32 $0x100, s30;
	s0 =	sshll.u32 s0, $0x7;
	[sflag:s25] =	ssyncset.done $0x0  }
0x170: {  	s31 =	sadd.s32 $0x100, s31;
	s0 =	sadd.s32 $0x100, s0;
	[sflag:s25] =	ssyncadd.s32 $0xFFFFE000  }
0x171: {  	[tilespmem:s19], [sflag:$0x2] =	stream.indirect.gather [hbm4b:s4+s18], $0x40, s0, s18, $0xb8;
	[tilespmem:$0x12300] =	vst v63  }
0x172: {  	s1 =	sadd.s32 $0x100, s1;
	p0 =	sne.s32 s8, $0x19;
	_ =	swait.ge [sflag:s26], $0x2000  }
.Ltmp2:
0x173: {  	s0 =	sshll.u32 s11, $0x4;
	[sflag:s26] =	ssyncset.done $0x0;
	(pc) =	sbr.rel @p0 .LBB2_2-.Ltmp2, $4  }
0x174: {  	s2 =	sadd.s32 $0x100, s2;
	s5 =	sadd.s32 s7, s0;
	[sflag:s26] =	ssyncadd.s32 $0xFFFFE000  }
0x175: {  	[hbm4b:s5+s23] =	stream.strided.scatter [tilespmem:s21], [sflag:$0x5], $0x2000, s18, s23, $0x38;
	[tilespmem:$0x12300] =	vst v63  }
0x176: {  	s28 =	sadd.s32 $0x100, s28;
	s14 =	sadd.s32 $0x100, s14;
	s0 =	sadd.s32 s0, s13  }
0x177: {  	[hbm4b:s0+s23] =	stream.strided.scatter [tilespmem:s24], [sflag:$0x5], $0x2000, s18, s23, $0x38;
	[tilespmem:$0x12300] =	vst v63  }
0x178: {  	_ =	swait.ge [sflag:s22], $0x2000  }
0x179: {  	[sflag:s22] =	ssyncset.done $0x0  }
0x17a: {  	s1 =	simm.s32 $0x5;
	[sflag:s22] =	ssyncadd.s32 $0xFFFFE000  }
0x17b: {  	_ =	swait.ge [sflag:s1], $0x2000  }
0x17c: {  	[sflag:s1] =	ssyncset.done $0x0  }
0x17d: {  	[sflag:s1] =	ssyncadd.s32 $0xFFFFE000  }
0x17e: {  	_ =	swait.ge [sflag:s1], $0x2000  }
0x17f: {  	s29 =	sadd.s32 $0x1, s29;
	s0 =	rddreg [dreg:$0x9]  }
0x180: {  	p0 =	sne.s32 s29, s0  }
.Ltmp3:
0x181: {  	_ = 	snop;
	(pc) =	sbr.rel @p0 .LBB2_1-.Ltmp3, $3  }
0x182: {  	_ =	sdelay $0x1  }
0x183: {  	[sflag:s1] =	ssyncset.done $0x0  }
0x184: {  	[sflag:s1] =	ssyncadd.s32 $0xFFFFE000  }
0x185: {  	_ =	sfence.sel $0x180000  }
0x186: {  	[bflag:$0x0] =	sbarrier.arrive $0xFFFF  }
0x187: {  	_ =	strace $0x90000047  }
0x188: {  	s0 =	stileid.u32;
	[bflag:$0x2] =	sbarrier.arrive $0xFFFF  }
0x189: {  	p0 =	sne.s32 s0, $0x0;
	s0 =	rddreg [dreg:$0x2]  }
0x18a: {  	s0 =	sadd.s32 @!p0 $0x100000, s0  }
0x18b: {  	[sflag:s0] =	ssyncadd.tile.s32 @!p0 $0x1;
	_ =	shalt  }
.Lfunc_end2:
_tile_overlayer_lowered:
.L_overlay_start_2:
0x18c: {  	(tag) =	ssettag $0x2  }
0x18d: {  	s0 =	rddreg [dreg:$0x0];
	s2 =	stileid.u32  }
0x18e: {  	s1 =	rddreg [dreg:$0x1];
	p0 =	sne.s32 s2, $0x0  }
0x18f: {  	s3 =	rddreg [dreg:$0x2];
	[bflag:$0x3] =	sbarrier.arrive $0xFFFF;
	s2 =	simm.s32 @!p0 $0x1C06  }
0x190: {  	[timem:s3], [sflag:s2] =	dma.local @!p0 [hbm:s0], s1  }
0x191: {  	s0 =	simm.s32 @!p0 $0x6  }
0x192: {  	_ =	swait.ge @!p0 [sflag:s0], s1  }
0x193: {  	s1 =	ssub.s32 @!p0 $0x0, s1;
	[sflag:s0] =	ssyncset.done @!p0 $0x0  }
0x194: {  	[sflag:s0] =	ssyncadd.s32 @!p0 s1  }
0x195: {  	[bflag:$0x3] =	sbarrier.arrive $0xFFFF  }
0x196: {  	_ =	shalt  }

// kernel: sparse-core-data-format-call.cloned.1.call-start
scs
called_computation_lowered:
.L_overlay_start_0:
0x0: {  	s2 =	sld [smem:$0x3FD9]  }
0x1: {  	s3 =	sld [smem:$0x3FFE];
	_ =	sdelay $0x1  }
0x2: {  	s1 =	srdreg.scid  }
0x3: {  	s0 =	sand.u32 $0x1, s1  }
0x4: {  	s18 =	sshll.u32 s0, $0xA;
	s2 =	sadd.s32 s3, s2  }
0x5: {  	s2 =	sadd.s32 s2, s18  }
0x6: {  	[smem:$0x3FC1] =	sst s2  }
0x7: {  	_ = 	snop  }
0x8: {  	s2 =	sld [smem:$0x3FD0];
	(tm) =	ssettm $0x1  }
0x9: {  	s19 =	sld [smem:$0x3FFB];
	_ =	sdelay $0x3  }
0xa: {  	_ =	strace s19  }
0xb: {  	s3 =	sld [smem:$0x3FFC];
	_ =	sdelay $0x3  }
0xc: {  	_ =	strace s3  }
0xd: {  	s3 =	sld [smem:$0x3FFD];
	_ =	sdelay $0x3  }
0xe: {  	_ =	strace s3  }
0xf: {  	_ =	strace $0x8FFFFFFF  }
0x10: {  	s20 =	sld [smem:$0x3FDB];
	_ =	sdelay $0x1  }
0x11: {  	s4 =	simm.s32 $_scs_section_size  }
0x12: {  	s5 =	simm.s32 $_size__tile_overlayer_lowered;
	s6 =	simm.s32 $_tile_overlayer_lowered  }
0x13: {  	s23 =	simm.s32 $0x1BFF;
	s22 =	sshll.u32 s6, $0x1;
	s3 =	sadd.s32 s4, s20  }
0x14: {  	s7 =	simm.s32 $0x0;
	s21 =	sshll.u32 s5, $0x1;
	s5 =	sadd.s32 s22, s3  }
0x15: {  	[timem:s7], [sflag:s23] =	dma.local [hbm:s5], s21  }
0x16: {  	_ =	swait.ge [sflag:s23], s21  }
0x17: {  	s4 =	ssub.s32 $0x0, s21;
	[sflag:s23] =	ssyncset.done $0x0  }
0x18: {  	[sflag:s23] =	ssyncadd.s32 s4;
	_ =	sdelay $0x1  }
0x19: {  	s24 =	simm.s32 $0x1B8B  }
0x1a: {  	_ =	swait.ge [sflag:s24], $0x1  }
0x1b: {  	[sflag:s24] =	ssyncset.done $0x0  }
0x1c: {  	s26 =	simm.s32 $0x1B8E;
	s25 =	sld [smem:$0x3FFE];
	[sflag:s24] =	ssyncadd.s32 $0xFFFFFFFF  }
0x1d: {  	s27 =	simm.s32 $execute0_lowered;
	[smem:$0x3FD2] =	sst s26  }
0x1e: {  	s5 =	sshll.u32 s27, $0x1;
	_ =	strace $0x80000049;
	[dreg:$0x1] =	wrdreg $0xFFFFFFFF  }
0x1f: {  	s28 =	simm.s32 $_size_execute0_lowered;
	s3 =	sadd.s32 s3, s5;
	[dreg:$0x0] =	wrdreg $0x0  }
0x20: {  	s5 =	sshll.u32 s28, $0x1;
	[dreg:$0x2] =	wrdreg s3  }
0x21: {  	[dreg:$0x3] =	wrdreg s5  }
0x22: {  	[dreg:$0x4] =	wrdreg $0xC0  }
0x23: {  	_ =	task [dreg:s7], $0x5FFFF  }
0x24: {  	[dreg:$0x1] =	wrdreg $0xFFFFFFFF  }
0x25: {  	[dreg:$0x0] =	wrdreg $0x60  }
0x26: {  	[dreg:$0x2] =	wrdreg s25  }
0x27: {  	[dreg:$0x3] =	wrdreg s2  }
0x28: {  	[dreg:$0x4] =	wrdreg $0x9  }
0x29: {  	_ =	task.clear_ibuf [dreg:s7], $0x5FFFF;
	_ =	strace $0x90000049  }
0x2a: {  	s29 =	simm.s32 $0x9;
	_ =	strace $0x8000004B  }
0x2b: {  	_ =	swait.ge [sflag:s29], $0x1  }
0x2c: {  	[sflag:s29] =	ssyncadd.s32 $0xFFFFFFFF  }
0x2d: {  	_ =	strace $0x9000004B  }
0x2e: {  	_ =	sfence  }
0x2f: {  	s30 =	sld [smem:$0x0];
	_ =	sdelay $0x2  }
0x30: {  	s31 =	sshll.u32 s1, $0xD;
	s1 =	sshrl.u32 s1, $0x2  }
0x31: {  	s3 =	sand.u32 $0x4000, s31;
	s1 =	sadd.s32 s1, s30  }
0x32: {  	s0 =	sor.u32 s3, s0;
	s1 =	sshll.u32 s1, $0x11  }
0x33: {  	s0 =	sor.u32 s1, s0  }
0x34: {  	s0 =	sadd.s32 $0x8F2B, s0  }
0x35: {  	[sflag:s0] =	ssyncadd.remote.s32 $0x1  }
0x36: {  	_ =	sfence.sel $0xFFFF  }
0x37: {  	[dreg:$0x0] =	wrdreg $0xFFFFFFFF;
	(pc) =	sbr.abs _section_cstart, $3  }
0x38: {  	[dreg:$0x1] =	wrdreg $0xFFFFFFFF  }
0x39: {  	_ =	task.clear_ibuf [dreg:s7], $0x2FFFF;
	_ =	strace $0x9FFFFFFF  }
0x3a: {  	(tm) =	ssettm $0x7FFFFFFF  }
0x3b: {  	_ =	shalt  }
tec
execute0_lowered:
.L_overlay_start_1:
0x0: {  	(tag) =	ssettag $0x1  }
0x1: {  	s4 =	rddreg [dreg:$0x0]  }
0x2: {  	s0 =	stileid.u32;
	s2 =	rddreg [dreg:$0x1]  }
0x3: {  	s7 =	srdreg.scid;
	s8 =	simm.s32 $0x2;
	s16 =	simm.s32 $0x0  }
0x4: {  	s9 =	simm.s32 $0x2000;
	s15 =	simm.s32 $0x0;
	s1 =	sshll.u32 s0, $0x7  }
0x5: {  	s10 =	simm.s32 $0x0;
	s11 =	simm.s32 $0x0;
	s3 =	sand.u32 $0x380, s1  }
0x6: {  	s14 =	simm.s32 $0x0;
	s7 =	sshll.u32 s7, $0x4;
	s5 =	ssub.s32 $0x400, s3  }
0x7: {  	s4 =	sadd.s32 $0x14A00, s4;
	s1 =	rddreg [dreg:$0x2];
	s6 =	sand.u32 $0x380, s5  }
0x8: {  	s7 =	sand.u32 $0x10, s7;
	p0 =	sne.s32 s6, $0x0;
	s6 =	simm.s32 $0x1  }
.Ltmp0:
0x9: {  	s5 =	sshrl.u32 s5, $0xA;
	s6 =	simm.s32 @!p0 $0x0;
	(pc) =	sbr.rel .LBB1_1-.Ltmp0, $4  }
0xa: {  	_ =	strace $0x8000004A;
	s7 =	sor.u32 s0, s7;
	s6 =	sadd.s32 s6, s5  }
0xb: {  	s7 =	sshrl.u32 s7, $0x3;
	s5 =	simm.s32 $0x1;
	s6 =	smul.u32 $0x32, s6  }
0xc: {  	s13 =	smov.u32 s3;
	s12 =	smov.u32 s7;
	[sflag:s5] =	ssyncpa.u1 $0x0  }
0xd: {  	p0 =	por $0x0, $0x0;
	[sflag:s8] =	ssyncpa.u1 $0x0;
	s8 =	sor.u32 $0x1, s6  }
.LBB1_4:
0xe: {  	s21 =	sshra.s32 s21, $0x2  }
0xf: {  	v5 =	vld [tilespmem:s18+$0xFFFFFFD0];
	s30 =	sshrl.u32 s11, $0x7;
	p1 =	sgt.s32 s10, $0xC7;
	s22 =	smov.u32 s10  }
0x10: {  	[tilespmem:s19+$0x2040 ss:$0x81] =	vst.msk $0xffff, v4;
	s23 =	sshra.s32 s10, $0x1F;
	v58 =	vld [tilespmem:s18+$0xFFFFFFE0];
	s25 =	sshra.s32 s11, $0x1F;
	s27 =	smul.u32 $0x3800, s10  }
0x11: {  	[tilespmem:s19+$0x2850 ss:$0x81] =	vst.msk $0xffff, v3;
	v59 =	vld [tilespmem:s18+$0xFFFFFFF0];
	s28 =	sshrl.u32 s11, $0x3;
	s20 =	sadd.s32 s21, s20;
	s21 =	sand.u32 $0x3FFFFF, s30  }
0x12: {  	[tilespmem:s19+$0x3060 ss:$0x81] =	vst.msk $0xffff, v2;
	v60 =	vld [tilespmem:s18+$0x0];
	s22 =	simm.s32 @!p1 $0xC7;
	s23 =	sand.u32 s23, s10;
	p1 =	sgt.s32 s11, $0x380  }
0x13: {  	[tilespmem:s19+$0x0 ss:$0x81] =	vst.msk $0xffff, v1;
	v61 =	vld [tilespmem:s18+$0x10];
	s25 =	sand.u32 s25, s11;
	s22 =	ssub.s32 s22, s23;
	s23 =	smov.u32 s11  }
0x14: {  	s24 =	smulhi.u32 $0x2492493, s21;
	[tilespmem:s20+$0x3870 ss:$0x81] =	vst.msk $0xffff, v0;
	s31 =	ssub.s32 $0xC8, s22;
	s23 =	simm.s32 @!p1 $0x380  }
0x15: {  	v62 =	vld [tilespmem:s18+$0x20];
	s22 =	sadd.s32 $0xFFFFFF39, s22;
	s23 =	ssub.s32 s23, s25;
	s19 =	smul.u32 $0x70, s31;
	[tilespmem:s20+$0x810 ss:$0x81] =	vst.msk $0xffff, v5  }
0x16: {  	v63 =	vld [tilespmem:s18+$0xFFFFFFC0];
	s24 =	smul.u32 $0x70, s24;
	p1 =	sgt.s32 s22, $0x0;
	s26 =	sadd.s32 $0xFFFFFC80, s23;
	[tilespmem:s20+$0x1020 ss:$0x81] =	vst.msk $0xffff, v58  }
0x17: {  	s18 =	ssub.s32 $0x400, s23;
	[tilespmem:s20+$0x1830 ss:$0x81] =	vst.msk $0xffff, v59;
	s19 =	simm.s32 @p1 $0x0;
	p1 =	sgt.s32 s26, $0x7F  }
0x18: {  	s29 =	sand.u32 $0x7, s11;
	s22 =	sadd.s32 s2, s27;
	[tilespmem:s20+$0x2040 ss:$0x81] =	vst.msk $0xffff, v60;
	s18 =	simm.s32 @p1 $0x0  }
0x19: {  	[tilespmem:s20+$0x2850 ss:$0x81] =	vst.msk $0xffff, v61;
	s21 =	ssub.s32 s21, s24;
	s18 =	smul.u32 s18, s19;
	s19 =	sand.u32 $0xF, s28  }
0x1a: {  	s30 =	sshll.u32 s29, $0x12;
	[tilespmem:s20+$0x3060 ss:$0x81] =	vst.msk $0xffff, v62;
	s21 =	sshll.u32 s21, $0x7;
	s19 =	sadd.s32 s19, s22  }
0x1b: {  	s31 =	sor.u32 $0x400, s30;
	[tilespmem:s20+$0x0 ss:$0x81] =	vst.msk $0xffff, v63;
	s18 =	sand.u32 $0x3FFFFFF0, s18;
	s19 =	sadd.s32 s21, s19  }
0x1c: {  	[hbm4b:s19+s31] =	stream.strided.scatter [tilespmem:s17], [sflag:$0x2], s18, s9, s31, $0x20;
	[tilespmem:$0x10100] =	vst v63  }
.LBB1_5:
0x1d: {  	p1 =	slt.u32 s14, $0x2  }
0x1e: {  	s18 =	smov.u32 s16;
	p2 =	sgt.s32 @!p1 s16, $0xC7;
	s17 =	sshra.s32 @!p1 s16, $0x1F  }
0x1f: {  	p3 =	sgt.s32 @!p1 s15, $0x380;
	s19 =	sshra.s32 @!p1 s15, $0x1F;
	p2 =	por !p2, p1  }
0x20: {  	s16 =	sand.u32 @!p1 s17, s16;
	p3 =	por !p3, p1;
	s17 =	smov.u32 s15  }
0x21: {  	s15 =	sand.u32 @!p1 s19, s15;
	s18 =	simm.s32 @p2 $0xC7;
	s17 =	simm.s32 @p3 $0x380  }
0x22: {  	s19 =	smov.u32 s13;
	s16 =	ssub.s32 @!p1 s18, s16;
	s15 =	ssub.s32 @!p1 s17, s15  }
0x23: {  	s17 =	sadd.s32 @!p1 $0xFFFFFF39, s16;
	s16 =	ssub.s32 @!p1 $0xC8, s16;
	s18 =	sadd.s32 @!p1 $0xFFFFFC80, s15  }
0x24: {  	p2 =	sgt.s32 @!p1 s17, $0x0;
	s16 =	smul.u32 @!p1 $0x70, s16;
	p3 =	sgt.s32 @!p1 s18, $0x7F  }
0x25: {  	s15 =	ssub.s32 @!p1 $0x400, s15;
	p2 =	por !p2, p1;
	p3 =	por !p3, p1  }
0x26: {  	s17 =	sadd.s32 $0x4, s12;
	s16 =	simm.s32 @!p2 $0x0;
	s15 =	simm.s32 @!p3 $0x0  }
0x27: {  	p2 =	sgt.s32 s17, $0xC7;
	s15 =	smul.u32 @!p1 s15, s16;
	s16 =	sadd.s32 $0x400, s13  }
0x28: {  	s19 =	smov.u32 @p2 s16  }
0x29: {  	s17 =	smov.u32 @p2 s7;
	p2 =	sgt.s32 s19, $0x3FF  }
0x2a: {  	s19 =	smov.u32 @p2 s3;
	p2 =	sne.s32 s14, s8  }
.Ltmp1:
0x2b: {  	p0 =	por !p0, !p0;
	s18 =	simm.s32 @!p1 $0x2;
	(pc) =	sbr.rel @!p2 .LBB1_6-.Ltmp1, $4  }
0x2c: {  	s16 =	smov.u32 s10;
	s10 =	smov.u32 s12;
	s15 =	sand.u32 @!p1 $0x3FFFFFF0, s15  }
0x2d: {  	s12 =	smov.u32 s17;
	_ =	swait.ge @!p1 [sflag:s18], s15;
	s20 =	ssub.s32 @!p1 $0x0, s15  }
0x2e: {  	s15 =	smov.u32 s11;
	s14 =	sadd.s32 $0x1, s14;
	[sflag:s18] =	ssyncset.done @!p1 $0x0  }
0x2f: {  	s11 =	smov.u32 s13;
	s13 =	smov.u32 s19;
	[sflag:s18] =	ssyncadd.s32 @!p1 s20  }
.LBB1_1:
0x30: {  	p1 =	sge.u32 s14, s6  }
0x31: {  	s17 =	sand.u32 @!p1 $0x1FFFFFF, s12  }
0x32: {  	s18 =	smulhi.u32 @!p1 $0x147AE15, s17;
	_ =	sdelay $0x1  }
0x33: {  	s18 =	smul.u32 @!p1 $0xC8, s18  }
0x34: {  	s19 =	sxor.u32 @!p1 $0xFFFFFFFF, s14;
	s20 =	smul.u32 @!p1 $0xC80, s13  }
0x35: {  	s31 =	sadd.s32 $0xFFFFFFFF, s14;
	s19 =	sshll.u32 @!p1 s19, $0xE;
	s17 =	ssub.s32 @!p1 s17, s18  }
0x36: {  	s18 =	sand.u32 @!p1 $0x4000, s19;
	s19 =	sadd.s32 @!p1 s4, s20;
	s17 =	sshll.u32 @!p1 s17, $0x4  }
0x37: {  	s20 =	simm.s32 @!p1 $0x6400;
	s17 =	sadd.s32 @!p1 s17, s19;
	s19 =	simm.s32 @!p1 $0x80  }
0x38: {  	[tilespmem:s18], [sflag:$0x1] =	stream.strided.gather @!p1 [hbm4b:s17+s19], $0x4000, s20, s19, $0x38;
	[tilespmem:$0x10100] =	vst v63  }
0x39: {  	p1 =	sge.u32 s31, s6  }
.Ltmp2:
0x3a: {  	_ = 	snop;
	(pc) =	sbr.rel @p1 .LBB1_5-.Ltmp2, $1  }
0x3b: {  	_ =	sdelay $0x3  }
0x3c: {  	s17 =	simm.s32 $0x1  }
0x3d: {  	_ =	swait.ge [sflag:s5], $0x4000;
	s17 =	simm.s32 @!p0 $0x0  }
0x3e: {  	[sflag:s5] =	ssyncset.done $0x0;
	s18 =	sshll.u32 s17, $0xE  }
0x3f: {  	[sflag:s5] =	ssyncadd.s32 $0xFFFFC000;
	s18 =	sor.u32 $0x40, s18  }
0x40: {  	s17 =	smul.u32 $0x10200, s17;
	v0 =	vld [tilespmem:s18+$0x30]  }
0x41: {  	v1 =	vld [tilespmem:s18+$0xFFFFFFD0]  }
0x42: {  	s17 =	sshrl.u32 s17, $0x2;
	v5 =	vld [tilespmem:s18+$0xFFFFFFE0]  }
0x43: {  	v6 =	vld [tilespmem:s18+$0xFFFFFFF0];
	s20 =	sor.u32 $0x8000, s17  }
0x44: {  	s31 =	sand.u32 $0x1, s14;
	v4 =	vld [tilespmem:s18+$0x0];
	s19 =	sadd.s32 $0x0, s20  }
0x45: {  	v3 =	vld [tilespmem:s18+$0x10];
	s17 =	smul.u32 $0x10200, s31;
	[tilespmem:s19+$0x3870 ss:$0x81] =	vst.msk $0xffff, v0  }
0x46: {  	v2 =	vld [tilespmem:s18+$0x20];
	[tilespmem:s19+$0x810 ss:$0x81] =	vst.msk $0xffff, v1  }
0x47: {  	s17 =	sshrl.u32 s17, $0x2;
	v1 =	vld [tilespmem:s18+$0xFFFFFFC0];
	[tilespmem:s19+$0x1020 ss:$0x81] =	vst.msk $0xffff, v5;
	s18 =	sadd.s32 $0x80, s18  }
0x48: {  	s21 =	simm.s32 $0x4;
	s22 =	simm.s32 $0x8;
	s17 =	sor.u32 $0x8000, s17;
	[tilespmem:s19+$0x1830 ss:$0x81] =	vst.msk $0xffff, v6;
	v0 =	vld [tilespmem:s18+$0x30]  }
.LBB1_3:
0x49: {  	p1 =	sne.s32 s22, $0x1FC;
	v5 =	vld [tilespmem:s18+$0xFFFFFFD0];
	[tilespmem:s19+$0x2040 ss:$0x81] =	vst.msk $0xffff, v4  }
0x4a: {  	v6 =	vld [tilespmem:s18+$0xFFFFFFE0];
	[tilespmem:s19+$0x2850 ss:$0x81] =	vst.msk $0xffff, v3  }
0x4b: {  	s23 =	sshra.s32 s21, $0x2;
	s21 =	smov.u32 s22;
	v7 =	vld [tilespmem:s18+$0xFFFFFFF0];
	[tilespmem:s19+$0x3060 ss:$0x81] =	vst.msk $0xffff, v2  }
.Ltmp3:
0x4c: {  	v4 =	vld [tilespmem:s18+$0x0];
	[tilespmem:s19+$0x0 ss:$0x81] =	vst.msk $0xffff, v1;
	s19 =	sadd.s32 s23, s20;
	(pc) =	sbr.rel @p1 .LBB1_3-.Ltmp3, $4  }
0x4d: {  	v3 =	vld [tilespmem:s18+$0x10];
	[tilespmem:s19+$0x3870 ss:$0x81] =	vst.msk $0xffff, v0  }
0x4e: {  	[tilespmem:s19+$0x810 ss:$0x81] =	vst.msk $0xffff, v5;
	v2 =	vld [tilespmem:s18+$0x20]  }
0x4f: {  	v1 =	vld [tilespmem:s18+$0xFFFFFFC0];
	[tilespmem:s19+$0x1020 ss:$0x81] =	vst.msk $0xffff, v6;
	s18 =	sadd.s32 $0x80, s18  }
0x50: {  	s22 =	sadd.s32 $0x4, s22;
	v0 =	vld [tilespmem:s18+$0x30];
	[tilespmem:s19+$0x1830 ss:$0x81] =	vst.msk $0xffff, v7  }
.Ltmp4:
0x51: {  	_ = 	snop;
	(pc) =	sbr.rel .LBB1_4-.Ltmp4, $1  }
0x52: {  	_ =	sdelay $0x3  }
.LBB1_6:
0x53: {  	_ =	sfence.sel $0x180000  }
0x54: {  	s2 =	simm.s32 $0x1;
	[bflag:$0x0] =	sbarrier.arrive $0xFFFF  }
0x55: {  	s31 =	simm.s32 $0x2;
	[sflag:s2] =	ssyncpa.u1 $0x1  }
0x56: {  	[sflag:s31] =	ssyncpa.u1 $0x1  }
0x57: {  	p0 =	sne.s32 s0, $0x0;
	_ =	strace $0x9000004A  }
0x58: {  	s0 =	sadd.s32 @!p0 $0x100000, s1;
	[bflag:$0x2] =	sbarrier.arrive $0xFFFF  }
0x59: {  	[sflag:s0] =	ssyncadd.tile.s32 @!p0 $0x1;
	_ =	shalt  }
.Lfunc_end1:
_tile_overlayer_lowered:
.L_overlay_start_2:
0x5a: {  	(tag) =	ssettag $0x2  }
0x5b: {  	s0 =	rddreg [dreg:$0x0];
	s2 =	stileid.u32  }
0x5c: {  	s1 =	rddreg [dreg:$0x1];
	p0 =	sne.s32 s2, $0x0  }
0x5d: {  	s3 =	rddreg [dreg:$0x2];
	[bflag:$0x3] =	sbarrier.arrive $0xFFFF;
	s2 =	simm.s32 @!p0 $0x1C01  }
0x5e: {  	[timem:s3], [sflag:s2] =	dma.local @!p0 [hbm:s0], s1  }
0x5f: {  	s0 =	simm.s32 @!p0 $0x1  }
0x60: {  	_ =	swait.ge @!p0 [sflag:s0], s1  }
0x61: {  	s1 =	ssub.s32 @!p0 $0x0, s1;
	[sflag:s0] =	ssyncset.done @!p0 $0x0  }
0x62: {  	[sflag:s0] =	ssyncadd.s32 @!p0 s1  }
0x63: {  	[bflag:$0x3] =	sbarrier.arrive $0xFFFF  }
0x64: {  	_ =	shalt  }

</sc_bundles>
